<compile_context>
chip_gen: v7x
topology: tpu7x:2x2x1
jax: 0.10.2.dev20260603
libtpu: 0.0.44.dev20260713+nightly
codegen_flags: <defaults>
</compile_context>

<pallas_src>
import functools

import jax
import jax.numpy as jnp
from jax import lax
from jax.experimental import pallas as pl
from jax.experimental.pallas import tpu as pltpu
from jax.experimental.pallas import tpu_sc as plsc

H = 16
S = 2048
TBL = 8191
COPY = 4096


_mesh = plsc.VectorSubcoreMesh(core_axis_name="c", subcore_axis_name="s")


@functools.partial(
    pl.kernel,
    out_type=jax.ShapeDtypeStruct((H, S, S), jnp.float32),
    mesh=_mesh,
    scratch_types=[
        pltpu.VMEM((TBL,), jnp.float32),
        pltpu.VMEM((2, 8, COPY), jnp.float32),
        pltpu.SemaphoreType.DMA,
    ],
)
def _rel_pos_bias(tbl_hbm, out_hbm, t_v, tab_v, sem):
    cid = lax.axis_index("c")
    sid = lax.axis_index("s")
    wid = sid * 2 + cid
    h = wid // 2
    chalf = wid % 2

    pltpu.sync_copy(tbl_hbm.at[h], t_v)

    lanes = lax.iota(jnp.int32, 16)

    def lane_perm(v, idx):
        dnums = lax.GatherDimensionNumbers(
            offset_dims=(), collapsed_slice_dims=(0,), start_index_map=(0,)
        )
        return lax.gather(
            v, idx[:, None], dnums, (1,),
            mode=lax.GatherScatterMode.PROMISE_IN_BOUNDS,
        )

    def drain_one(buf):
        pltpu.make_async_copy(
            tab_v.at[buf, :, pl.ds(0, S)],
            out_hbm.at[h, pl.ds(0, 8), :],
            sem,
        ).wait()

    def fire_class(buf, u):
        def fire(j, carry):
            blk = (15 - 8 * chalf - u) + 16 * j
            f = pl.multiple_of(1920 - 128 * j, 128)
            rs = pl.multiple_of(8 * blk, 8)
            pltpu.make_async_copy(
                tab_v.at[buf, :, pl.ds(f, S)],
                out_hbm.at[h, pl.ds(rs, 8), :],
                sem,
            ).start()
            return carry

        lax.fori_loop(0, 16, fire, 0)

    def build_class(buf, parity, up):
        nw = 2 if parity == 0 else 3

        def build(k, carry):
            base = -16 * up - 64 * chalf - 16 * k
            a_top = pl.multiple_of(base + 6128, 16)
            w = [t_v[pl.ds(a_top - 16 * n, 16)] for n in range(nw)]
            for r in range(8):
                cs = (7 + r - 8 * parity) % 16
                ar = 6135 + r - 8 * parity - cs
                rel = (6128 - ar) // 16
                assert ar + 16 * rel == 6128 and rel + 1 < nw, (r, parity)
                idx = (cs - lanes) & 15
                mask = lanes <= cs
                chunk = jnp.where(
                    mask, lane_perm(w[rel], idx), lane_perm(w[rel + 1], idx)
                )
                tab_v[buf, r, pl.ds(pl.multiple_of(16 * k, 16), 16)] = chunk
            return carry

        lax.fori_loop(0, COPY // 16, build, 0)

    def pair(up, carry):
        for parity in range(2):
            buf = parity

            @pl.when(up > 0)
            def _drain(buf=buf):
                def d(j, c):
                    drain_one(buf)
                    return c

                lax.fori_loop(0, 16, d, 0)

            build_class(buf, parity, up)
            fire_class(buf, 2 * up + parity)
        return carry

    lax.fori_loop(0, 4, pair, 0)

    def final_drain(j, carry):
        drain_one(0)
        drain_one(1)
        return carry

    lax.fori_loop(0, 16, final_drain, 0)


def kernel(rel_bias, seq_len):
    del seq_len
    return _rel_pos_bias(rel_bias[0])[None]

# --- scband reference (transcript-rebuilt; emitter-appended) ---
"""Pipeline reference for scband-relative-position-bias-19490561589546 (READ-ONLY COPY).

The authoritative reference and input builder live on the scoring server;
editing this copy changes nothing except your own understanding.
"""

import jax, jax.numpy as jnp
import numpy as np

NUM_HEADS = 16
MAX_SEQ_LEN = 4096

def setup_inputs(seed: int = 0) -> dict:
    key = jax.random.key(seed)
    rel_bias = jax.random.normal(key, (1, NUM_HEADS, 2 * MAX_SEQ_LEN - 1), dtype=jnp.float32)
    return {"rel_bias": rel_bias, "seq_len": 2048}

def reference(rel_bias, seq_len):
    # pos: [S]
    pos = jnp.arange(2048) + (seq_len - 2048)
    # rel_dist: [S, S]
    rel_dist = pos[:, None] - pos[None, :]
    idx = rel_dist + MAX_SEQ_LEN - 1
    # gather along last dim of rel_bias -> [1, H, S, S]
    bias = rel_bias[:, :, idx]
    return bias

if __name__ == "__main__":
    import jax
    _d = setup_inputs()
    print(jax.jit(kernel)(*tuple(_d.values())))

</pallas_src>

<mosaic_0001>
#map = affine_map<(d0, d1) -> (0, 0)>
#map1 = affine_map<(d0, d1) -> (0, 0, 0)>
module attributes {stable_mosaic.version = 14 : i64} {
  func.func @_rel_pos_bias(%arg0: i32, %arg1: i32, %arg2: memref<16x8191xf32, #tpu.memory_space<hbm>>, %arg3: memref<16x2048x2048xf32, #tpu.memory_space<hbm>>, %arg4: memref<8191xf32, #tpu.memory_space<vmem>>, %arg5: memref<2x8x4096xf32, #tpu.memory_space<vmem>>, %arg6: memref<!tpu.dma_semaphore, #tpu.memory_space<semaphore_mem>>) attributes {dimension_semantics = [#tpu.dimension_semantics<core_parallel>, #tpu.dimension_semantics<subcore_parallel>], iteration_bounds = array<i64: 2, 16>, scalar_prefetch = 0 : i64, scratch_operands = 3 : i64, tpu.core_type = #tpu.core_type<sc_vector_subcore>, window_params = [{transform_indices = #map}, {transform_indices = #map1}]} {
    %mul3A = arith.constant 2 : i32
    %mul3A_0 = arith.muli %arg1, %mul3A : i32
    %add3A = arith.addi %mul3A_0, %arg0 : i32
    %jit3A = arith.constant 2 : i32
    %div3A = arith.divsi %add3A, %jit3A : i32
    %sign3A = arith.constant 0 : i32
    %sign3A_1 = arith.cmpi sgt, %add3A, %sign3A : i32
    %sign3A_2 = arith.extui %sign3A_1 : i1 to i32
    %sign3A_3 = arith.constant 0 : i32
    %sign3A_4 = arith.cmpi slt, %add3A, %sign3A_3 : i32
    %sign3A_5 = arith.extui %sign3A_4 : i1 to i32
    %sign3A_6 = arith.subi %sign3A_2, %sign3A_5 : i32
    %sign3A_7 = arith.constant 0 : i32
    %sign3A_8 = arith.cmpi sgt, %jit3A, %sign3A_7 : i32
    %sign3A_9 = arith.extui %sign3A_8 : i1 to i32
    %sign3A_10 = arith.constant 0 : i32
    %sign3A_11 = arith.cmpi slt, %jit3A, %sign3A_10 : i32
    %sign3A_12 = arith.extui %sign3A_11 : i1 to i32
    %sign3A_13 = arith.subi %sign3A_9, %sign3A_12 : i32
    %ne3A = arith.cmpi ne, %sign3A_6, %sign3A_13 : i32
    %rem3A = arith.remsi %add3A, %jit3A : i32
    %ne3A_14 = arith.constant 0 : i32
    %ne3A_15 = arith.cmpi ne, %rem3A, %ne3A_14 : i32
    %and3A = arith.andi %ne3A, %ne3A_15 : i1
    %sub3A = arith.constant 1 : i32
    %sub3A_16 = arith.subi %div3A, %sub3A : i32
    %select_n3A = arith.select %and3A, %sub3A_16, %div3A : i32
    %jit3A_17 = arith.constant 2 : i32
    %eq3A = arith.constant 0 : i32
    %eq3A_18 = arith.cmpi eq, %jit3A_17, %eq3A : i32
    %jit3A_19 = arith.constant 1 : i32
    %select_n3A_20 = arith.select %eq3A_18, %jit3A_19, %jit3A_17 : i32
    %rem3A_21 = arith.remsi %add3A, %select_n3A_20 : i32
    %ne3A_22 = arith.constant 0 : i32
    %ne3A_23 = arith.cmpi ne, %rem3A_21, %ne3A_22 : i32
    %lt3A = arith.constant 0 : i32
    %lt3A_24 = arith.cmpi slt, %rem3A_21, %lt3A : i32
    %lt3A_25 = arith.constant 0 : i32
    %lt3A_26 = arith.cmpi slt, %select_n3A_20, %lt3A_25 : i32
    %ne3A_27 = arith.xori %lt3A_24, %lt3A_26 : i1
    %and3A_28 = arith.andi %ne3A_27, %ne3A_23 : i1
    %add3A_29 = arith.addi %rem3A_21, %select_n3A_20 : i32
    %select_n3A_30 = arith.select %and3A_28, %add3A_29, %rem3A_21 : i32
    "tpu.region"() ({
      %run_scoped3A = tpu.sem_alloc : memref<!tpu.dma_semaphore, #tpu.memory_space<semaphore_mem>>
      %dma_start3A = arith.constant 0 : i32
      %dma_start3A_42 = tpu.memref_slice %arg2[%select_n3A, %dma_start3A] : memref<16x8191xf32, #tpu.memory_space<hbm>> -> memref<1x8191xf32, #tpu.memory_space<hbm>>
      %dma_start3A_43 = tpu.memref_squeeze %dma_start3A_42 : memref<1x8191xf32, #tpu.memory_space<hbm>> -> memref<8191xf32, #tpu.memory_space<hbm>>
      %dma_start3A_44 = arith.constant 0 : i32
      %dma_start3A_45 = tpu.memref_slice %arg2[%select_n3A, %dma_start3A_44] : memref<16x8191xf32, #tpu.memory_space<hbm>> -> memref<1x8191xf32, #tpu.memory_space<hbm>>
      %dma_start3A_46 = tpu.memref_squeeze %dma_start3A_45 : memref<1x8191xf32, #tpu.memory_space<hbm>> -> memref<8191xf32, #tpu.memory_space<hbm>>
      tpu.enqueue_dma source(%dma_start3A_46 : memref<8191xf32, #tpu.memory_space<hbm>>) target(%arg4 : memref<8191xf32, #tpu.memory_space<vmem>>) target_semaphore(%run_scoped3A : memref<!tpu.dma_semaphore, #tpu.memory_space<semaphore_mem>>)
      %dma_wait3A = arith.constant 0 : i32
      %dma_wait3A_47 = tpu.memref_slice %arg2[%select_n3A, %dma_wait3A] : memref<16x8191xf32, #tpu.memory_space<hbm>> -> memref<1x8191xf32, #tpu.memory_space<hbm>>
      %dma_wait3A_48 = tpu.memref_squeeze %dma_wait3A_47 : memref<1x8191xf32, #tpu.memory_space<hbm>> -> memref<8191xf32, #tpu.memory_space<hbm>>
      %dma_wait3A_49 = arith.constant 0 : i32
      %dma_wait3A_50 = tpu.memref_slice %arg2[%select_n3A, %dma_wait3A_49] : memref<16x8191xf32, #tpu.memory_space<hbm>> -> memref<1x8191xf32, #tpu.memory_space<hbm>>
      %dma_wait3A_51 = tpu.memref_squeeze %dma_wait3A_50 : memref<1x8191xf32, #tpu.memory_space<hbm>> -> memref<8191xf32, #tpu.memory_space<hbm>>
      tpu.wait_dma2 semaphore(%run_scoped3A : memref<!tpu.dma_semaphore, #tpu.memory_space<semaphore_mem>>) src(%dma_wait3A_51 : memref<8191xf32, #tpu.memory_space<hbm>>) dst(%arg4 : memref<8191xf32, #tpu.memory_space<vmem>>)
      tpu.yield
    }) : () -> ()
    %iota3A = tpu.iota {dimensions = array<i32: 0>} : vector<16xi32>
    %scan3A = arith.constant 0 : i32
    %scan3A_31 = arith.constant 0 : i32
    %scan3A_32 = arith.constant 4 : i32
    %scan3A_33 = arith.addi %scan3A_31, %scan3A_32 : i32
    %scan3A_34 = arith.constant 1 : i32
    scf.for %scan3A_42 = %scan3A_31 to %scan3A_33 step %scan3A_34  : i32 {
      %gt3A = arith.constant 0 : i32
      %gt3A_43 = arith.cmpi sgt, %scan3A_42, %gt3A : i32
      %convert_element_type3A = arith.extui %gt3A_43 : i1 to i32
      %cond3A = arith.constant 0 : i32
      %cond3A_44 = arith.cmpi ne, %convert_element_type3A, %cond3A : i32
      scf.if %cond3A_44 {
        %scan3A_82 = arith.constant 0 : i32
        %scan3A_83 = arith.constant 0 : i32
        %scan3A_84 = arith.constant 16 : i32
        %scan3A_85 = arith.addi %scan3A_83, %scan3A_84 : i32
        %scan3A_86 = arith.constant 1 : i32
        scf.for %scan3A_88 = %scan3A_83 to %scan3A_85 step %scan3A_86  : i32 {
          %dma_wait3A = arith.constant 0 : i32
          %dma_wait3A_89 = arith.constant 0 : i32
          %dma_wait3A_90 = arith.constant 0 : i32
          %dma_wait3A_91 = tpu.memref_slice %arg5[%dma_wait3A, %dma_wait3A_89, %dma_wait3A_90] : memref<2x8x4096xf32, #tpu.memory_space<vmem>> -> memref<1x8x2048xf32, #tpu.memory_space<vmem>>
          %dma_wait3A_92 = tpu.memref_squeeze %dma_wait3A_91 : memref<1x8x2048xf32, #tpu.memory_space<vmem>> -> memref<8x2048xf32, #tpu.memory_space<vmem>>
          %dma_wait3A_93 = arith.constant 0 : i32
          %dma_wait3A_94 = arith.constant 0 : i32
          %dma_wait3A_95 = tpu.memref_slice %arg3[%select_n3A, %dma_wait3A_93, %dma_wait3A_94] : memref<16x2048x2048xf32, #tpu.memory_space<hbm>> -> memref<1x8x2048xf32, #tpu.memory_space<hbm>>
          %dma_wait3A_96 = tpu.memref_squeeze %dma_wait3A_95 : memref<1x8x2048xf32, #tpu.memory_space<hbm>> -> memref<8x2048xf32, #tpu.memory_space<hbm>>
          %dma_wait3A_97 = arith.constant 0 : i32
          %dma_wait3A_98 = arith.constant 0 : i32
          %dma_wait3A_99 = tpu.memref_slice %arg3[%select_n3A, %dma_wait3A_97, %dma_wait3A_98] : memref<16x2048x2048xf32, #tpu.memory_space<hbm>> -> memref<1x8x2048xf32, #tpu.memory_space<hbm>>
          %dma_wait3A_100 = tpu.memref_squeeze %dma_wait3A_99 : memref<1x8x2048xf32, #tpu.memory_space<hbm>> -> memref<8x2048xf32, #tpu.memory_space<hbm>>
          %dma_wait3A_101 = arith.constant 0 : i32
          %dma_wait3A_102 = arith.constant 0 : i32
          %dma_wait3A_103 = tpu.memref_slice %arg5[%dma_wait3A, %dma_wait3A_101, %dma_wait3A_102] : memref<2x8x4096xf32, #tpu.memory_space<vmem>> -> memref<1x8x2048xf32, #tpu.memory_space<vmem>>
          %dma_wait3A_104 = tpu.memref_squeeze %dma_wait3A_103 : memref<1x8x2048xf32, #tpu.memory_space<vmem>> -> memref<8x2048xf32, #tpu.memory_space<vmem>>
          tpu.wait_dma2 semaphore(%arg6 : memref<!tpu.dma_semaphore, #tpu.memory_space<semaphore_mem>>) src(%dma_wait3A_104 : memref<8x2048xf32, #tpu.memory_space<vmem>>) dst(%dma_wait3A_100 : memref<8x2048xf32, #tpu.memory_space<hbm>>)
        }
        %scan3A_87 = arith.constant 16 : i32
      } else {
      }
      %scan3A_45 = arith.constant 0 : i32
      %scan3A_46 = arith.constant 0 : i32
      %scan3A_47 = arith.constant 256 : i32
      %scan3A_48 = arith.addi %scan3A_46, %scan3A_47 : i32
      %scan3A_49 = arith.constant 1 : i32
      scf.for %scan3A_82 = %scan3A_46 to %scan3A_48 step %scan3A_49  : i32 {
        %mul3A_83 = arith.constant -16 : i32
        %mul3A_84 = arith.muli %mul3A_83, %scan3A_42 : i32
        %mul3A_85 = arith.constant 64 : i32
        %mul3A_86 = arith.muli %mul3A_85, %select_n3A_30 : i32
        %sub3A_87 = arith.subi %mul3A_84, %mul3A_86 : i32
        %mul3A_88 = arith.constant 16 : i32
        %mul3A_89 = arith.muli %mul3A_88, %scan3A_82 : i32
        %sub3A_90 = arith.subi %sub3A_87, %mul3A_89 : i32
        %add3A_91 = arith.constant 6128 : i32
        %add3A_92 = arith.addi %sub3A_90, %add3A_91 : i32
        %multiple_of3A = tpu.assume_multiple %add3A_92, 16 : i32
        %sub3A_93 = arith.constant 0 : i32
        %sub3A_94 = arith.subi %multiple_of3A, %sub3A_93 : i32
        %get3A = arith.index_cast %sub3A_94 : i32 to index
        %get3A_95 = tpu.vector_load %arg4[%get3A] {strides = array<i32>} : memref<8191xf32, #tpu.memory_space<vmem>>, vector<16xf32>,
        %get3A_96 = vector.shape_cast %get3A_95 : vector<16xf32> to vector<16xf32>
        %sub3A_97 = arith.constant 16 : i32
        %sub3A_98 = arith.subi %multiple_of3A, %sub3A_97 : i32
        %get3A_99 = arith.index_cast %sub3A_98 : i32 to index
        %get3A_100 = tpu.vector_load %arg4[%get3A_99] {strides = array<i32>} : memref<8191xf32, #tpu.memory_space<vmem>>, vector<16xf32>,
        %get3A_101 = vector.shape_cast %get3A_100 : vector<16xf32> to vector<16xf32>
        %sub3A_102 = arith.constant 7 : i32
        %sub3A_103 = vector.broadcast %sub3A_102 : i32 to vector<16xi32>
        %sub3A_104 = arith.subi %sub3A_103, %iota3A : vector<16xi32>
        %and3A_105 = arith.constant 15 : i32
        %and3A_106 = vector.broadcast %and3A_105 : i32 to vector<16xi32>
        %and3A_107 = arith.andi %sub3A_104, %and3A_106 : vector<16xi32>
        %le3A = arith.constant 7 : i32
        %le3A_108 = vector.broadcast %le3A : i32 to vector<16xi32>
        %le3A_109 = arith.cmpi sle, %iota3A, %le3A_108 : vector<16xi32>
        %broadcast_in_dim3A = vector.shape_cast %and3A_107 : vector<16xi32> to vector<16x1xi32>
        %gather3A = vector.shape_cast %broadcast_in_dim3A : vector<16x1xi32> to vector<16xi32>
        %gather3A_110 = tpu.dynamic_gather %get3A_96[%gather3A] in [0] : vector<16xf32>, vector<16xi32> -> vector<16xf32>
        %broadcast_in_dim3A_111 = vector.shape_cast %and3A_107 : vector<16xi32> to vector<16x1xi32>
        %gather3A_112 = vector.shape_cast %broadcast_in_dim3A_111 : vector<16x1xi32> to vector<16xi32>
        %gather3A_113 = tpu.dynamic_gather %get3A_101[%gather3A_112] in [0] : vector<16xf32>, vector<16xi32> -> vector<16xf32>
        %select_n3A_114 = arith.select %le3A_109, %gather3A_110, %gather3A_113 : vector<16xi1>, vector<16xf32>
        %mul3A_115 = arith.constant 16 : i32
        %mul3A_116 = arith.muli %mul3A_115, %scan3A_82 : i32
        %multiple_of3A_117 = tpu.assume_multiple %mul3A_116, 16 : i32
        %swap3A = arith.constant 0 : i32
        %swap3A_118 = arith.constant 0 : i32
        %swap3A_119 = arith.index_cast %swap3A : i32 to index
        %swap3A_120 = arith.index_cast %swap3A_118 : i32 to index
        %swap3A_121 = arith.index_cast %multiple_of3A_117 : i32 to index
        %swap3A_122 = tpu.vector_load %arg5[%swap3A_119, %swap3A_120, %swap3A_121] {strides = array<i32>} : memref<2x8x4096xf32, #tpu.memory_space<vmem>>, vector<1x1x16xf32>,
        %swap3A_123 = vector.shape_cast %swap3A_122 : vector<1x1x16xf32> to vector<16xf32>
        %swap3A_124 = vector.shape_cast %select_n3A_114 : vector<16xf32> to vector<1x1x16xf32>
        tpu.vector_store %arg5[%swap3A_119, %swap3A_120, %swap3A_121], %swap3A_124 {strides = array<i32>} : memref<2x8x4096xf32, #tpu.memory_space<vmem>>, vector<1x1x16xf32>,
        %sub3A_125 = arith.constant 8 : i32
        %sub3A_126 = vector.broadcast %sub3A_125 : i32 to vector<16xi32>
        %sub3A_127 = arith.subi %sub3A_126, %iota3A : vector<16xi32>
        %and3A_128 = arith.constant 15 : i32
        %and3A_129 = vector.broadcast %and3A_128 : i32 to vector<16xi32>
        %and3A_130 = arith.andi %sub3A_127, %and3A_129 : vector<16xi32>
        %le3A_131 = arith.constant 8 : i32
        %le3A_132 = vector.broadcast %le3A_131 : i32 to vector<16xi32>
        %le3A_133 = arith.cmpi sle, %iota3A, %le3A_132 : vector<16xi32>
        %broadcast_in_dim3A_134 = vector.shape_cast %and3A_130 : vector<16xi32> to vector<16x1xi32>
        %gather3A_135 = vector.shape_cast %broadcast_in_dim3A_134 : vector<16x1xi32> to vector<16xi32>
        %gather3A_136 = tpu.dynamic_gather %get3A_96[%gather3A_135] in [0] : vector<16xf32>, vector<16xi32> -> vector<16xf32>
        %broadcast_in_dim3A_137 = vector.shape_cast %and3A_130 : vector<16xi32> to vector<16x1xi32>
        %gather3A_138 = vector.shape_cast %broadcast_in_dim3A_137 : vector<16x1xi32> to vector<16xi32>
        %gather3A_139 = tpu.dynamic_gather %get3A_101[%gather3A_138] in [0] : vector<16xf32>, vector<16xi32> -> vector<16xf32>
        %select_n3A_140 = arith.select %le3A_133, %gather3A_136, %gather3A_139 : vector<16xi1>, vector<16xf32>
        %mul3A_141 = arith.constant 16 : i32
        %mul3A_142 = arith.muli %mul3A_141, %scan3A_82 : i32
        %multiple_of3A_143 = tpu.assume_multiple %mul3A_142, 16 : i32
        %swap3A_144 = arith.constant 0 : i32
        %swap3A_145 = arith.constant 1 : i32
        %swap3A_146 = arith.index_cast %swap3A_144 : i32 to index
        %swap3A_147 = arith.index_cast %swap3A_145 : i32 to index
        %swap3A_148 = arith.index_cast %multiple_of3A_143 : i32 to index
        %swap3A_149 = tpu.vector_load %arg5[%swap3A_146, %swap3A_147, %swap3A_148] {strides = array<i32>} : memref<2x8x4096xf32, #tpu.memory_space<vmem>>, vector<1x1x16xf32>,
        %swap3A_150 = vector.shape_cast %swap3A_149 : vector<1x1x16xf32> to vector<16xf32>
        %swap3A_151 = vector.shape_cast %select_n3A_140 : vector<16xf32> to vector<1x1x16xf32>
        tpu.vector_store %arg5[%swap3A_146, %swap3A_147, %swap3A_148], %swap3A_151 {strides = array<i32>} : memref<2x8x4096xf32, #tpu.memory_space<vmem>>, vector<1x1x16xf32>,
        %sub3A_152 = arith.constant 9 : i32
        %sub3A_153 = vector.broadcast %sub3A_152 : i32 to vector<16xi32>
        %sub3A_154 = arith.subi %sub3A_153, %iota3A : vector<16xi32>
        %and3A_155 = arith.constant 15 : i32
        %and3A_156 = vector.broadcast %and3A_155 : i32 to vector<16xi32>
        %and3A_157 = arith.andi %sub3A_154, %and3A_156 : vector<16xi32>
        %le3A_158 = arith.constant 9 : i32
        %le3A_159 = vector.broadcast %le3A_158 : i32 to vector<16xi32>
        %le3A_160 = arith.cmpi sle, %iota3A, %le3A_159 : vector<16xi32>
        %broadcast_in_dim3A_161 = vector.shape_cast %and3A_157 : vector<16xi32> to vector<16x1xi32>
        %gather3A_162 = vector.shape_cast %broadcast_in_dim3A_161 : vector<16x1xi32> to vector<16xi32>
        %gather3A_163 = tpu.dynamic_gather %get3A_96[%gather3A_162] in [0] : vector<16xf32>, vector<16xi32> -> vector<16xf32>
        %broadcast_in_dim3A_164 = vector.shape_cast %and3A_157 : vector<16xi32> to vector<16x1xi32>
        %gather3A_165 = vector.shape_cast %broadcast_in_dim3A_164 : vector<16x1xi32> to vector<16xi32>
        %gather3A_166 = tpu.dynamic_gather %get3A_101[%gather3A_165] in [0] : vector<16xf32>, vector<16xi32> -> vector<16xf32>
        %select_n3A_167 = arith.select %le3A_160, %gather3A_163, %gather3A_166 : vector<16xi1>, vector<16xf32>
        %mul3A_168 = arith.constant 16 : i32
        %mul3A_169 = arith.muli %mul3A_168, %scan3A_82 : i32
        %multiple_of3A_170 = tpu.assume_multiple %mul3A_169, 16 : i32
        %swap3A_171 = arith.constant 0 : i32
        %swap3A_172 = arith.constant 2 : i32
        %swap3A_173 = arith.index_cast %swap3A_171 : i32 to index
        %swap3A_174 = arith.index_cast %swap3A_172 : i32 to index
        %swap3A_175 = arith.index_cast %multiple_of3A_170 : i32 to index
        %swap3A_176 = tpu.vector_load %arg5[%swap3A_173, %swap3A_174, %swap3A_175] {strides = array<i32>} : memref<2x8x4096xf32, #tpu.memory_space<vmem>>, vector<1x1x16xf32>,
        %swap3A_177 = vector.shape_cast %swap3A_176 : vector<1x1x16xf32> to vector<16xf32>
        %swap3A_178 = vector.shape_cast %select_n3A_167 : vector<16xf32> to vector<1x1x16xf32>
        tpu.vector_store %arg5[%swap3A_173, %swap3A_174, %swap3A_175], %swap3A_178 {strides = array<i32>} : memref<2x8x4096xf32, #tpu.memory_space<vmem>>, vector<1x1x16xf32>,
        %sub3A_179 = arith.constant 10 : i32
        %sub3A_180 = vector.broadcast %sub3A_179 : i32 to vector<16xi32>
        %sub3A_181 = arith.subi %sub3A_180, %iota3A : vector<16xi32>
        %and3A_182 = arith.constant 15 : i32
        %and3A_183 = vector.broadcast %and3A_182 : i32 to vector<16xi32>
        %and3A_184 = arith.andi %sub3A_181, %and3A_183 : vector<16xi32>
        %le3A_185 = arith.constant 10 : i32
        %le3A_186 = vector.broadcast %le3A_185 : i32 to vector<16xi32>
        %le3A_187 = arith.cmpi sle, %iota3A, %le3A_186 : vector<16xi32>
        %broadcast_in_dim3A_188 = vector.shape_cast %and3A_184 : vector<16xi32> to vector<16x1xi32>
        %gather3A_189 = vector.shape_cast %broadcast_in_dim3A_188 : vector<16x1xi32> to vector<16xi32>
        %gather3A_190 = tpu.dynamic_gather %get3A_96[%gather3A_189] in [0] : vector<16xf32>, vector<16xi32> -> vector<16xf32>
        %broadcast_in_dim3A_191 = vector.shape_cast %and3A_184 : vector<16xi32> to vector<16x1xi32>
        %gather3A_192 = vector.shape_cast %broadcast_in_dim3A_191 : vector<16x1xi32> to vector<16xi32>
        %gather3A_193 = tpu.dynamic_gather %get3A_101[%gather3A_192] in [0] : vector<16xf32>, vector<16xi32> -> vector<16xf32>
        %select_n3A_194 = arith.select %le3A_187, %gather3A_190, %gather3A_193 : vector<16xi1>, vector<16xf32>
        %mul3A_195 = arith.constant 16 : i32
        %mul3A_196 = arith.muli %mul3A_195, %scan3A_82 : i32
        %multiple_of3A_197 = tpu.assume_multiple %mul3A_196, 16 : i32
        %swap3A_198 = arith.constant 0 : i32
        %swap3A_199 = arith.constant 3 : i32
        %swap3A_200 = arith.index_cast %swap3A_198 : i32 to index
        %swap3A_201 = arith.index_cast %swap3A_199 : i32 to index
        %swap3A_202 = arith.index_cast %multiple_of3A_197 : i32 to index
        %swap3A_203 = tpu.vector_load %arg5[%swap3A_200, %swap3A_201, %swap3A_202] {strides = array<i32>} : memref<2x8x4096xf32, #tpu.memory_space<vmem>>, vector<1x1x16xf32>,
        %swap3A_204 = vector.shape_cast %swap3A_203 : vector<1x1x16xf32> to vector<16xf32>
        %swap3A_205 = vector.shape_cast %select_n3A_194 : vector<16xf32> to vector<1x1x16xf32>
        tpu.vector_store %arg5[%swap3A_200, %swap3A_201, %swap3A_202], %swap3A_205 {strides = array<i32>} : memref<2x8x4096xf32, #tpu.memory_space<vmem>>, vector<1x1x16xf32>,
        %sub3A_206 = arith.constant 11 : i32
        %sub3A_207 = vector.broadcast %sub3A_206 : i32 to vector<16xi32>
        %sub3A_208 = arith.subi %sub3A_207, %iota3A : vector<16xi32>
        %and3A_209 = arith.constant 15 : i32
        %and3A_210 = vector.broadcast %and3A_209 : i32 to vector<16xi32>
        %and3A_211 = arith.andi %sub3A_208, %and3A_210 : vector<16xi32>
        %le3A_212 = arith.constant 11 : i32
        %le3A_213 = vector.broadcast %le3A_212 : i32 to vector<16xi32>
        %le3A_214 = arith.cmpi sle, %iota3A, %le3A_213 : vector<16xi32>
        %broadcast_in_dim3A_215 = vector.shape_cast %and3A_211 : vector<16xi32> to vector<16x1xi32>
        %gather3A_216 = vector.shape_cast %broadcast_in_dim3A_215 : vector<16x1xi32> to vector<16xi32>
        %gather3A_217 = tpu.dynamic_gather %get3A_96[%gather3A_216] in [0] : vector<16xf32>, vector<16xi32> -> vector<16xf32>
        %broadcast_in_dim3A_218 = vector.shape_cast %and3A_211 : vector<16xi32> to vector<16x1xi32>
        %gather3A_219 = vector.shape_cast %broadcast_in_dim3A_218 : vector<16x1xi32> to vector<16xi32>
        %gather3A_220 = tpu.dynamic_gather %get3A_101[%gather3A_219] in [0] : vector<16xf32>, vector<16xi32> -> vector<16xf32>
        %select_n3A_221 = arith.select %le3A_214, %gather3A_217, %gather3A_220 : vector<16xi1>, vector<16xf32>
        %mul3A_222 = arith.constant 16 : i32
        %mul3A_223 = arith.muli %mul3A_222, %scan3A_82 : i32
        %multiple_of3A_224 = tpu.assume_multiple %mul3A_223, 16 : i32
        %swap3A_225 = arith.constant 0 : i32
        %swap3A_226 = arith.constant 4 : i32
        %swap3A_227 = arith.index_cast %swap3A_225 : i32 to index
        %swap3A_228 = arith.index_cast %swap3A_226 : i32 to index
        %swap3A_229 = arith.index_cast %multiple_of3A_224 : i32 to index
        %swap3A_230 = tpu.vector_load %arg5[%swap3A_227, %swap3A_228, %swap3A_229] {strides = array<i32>} : memref<2x8x4096xf32, #tpu.memory_space<vmem>>, vector<1x1x16xf32>,
        %swap3A_231 = vector.shape_cast %swap3A_230 : vector<1x1x16xf32> to vector<16xf32>
        %swap3A_232 = vector.shape_cast %select_n3A_221 : vector<16xf32> to vector<1x1x16xf32>
        tpu.vector_store %arg5[%swap3A_227, %swap3A_228, %swap3A_229], %swap3A_232 {strides = array<i32>} : memref<2x8x4096xf32, #tpu.memory_space<vmem>>, vector<1x1x16xf32>,
        %sub3A_233 = arith.constant 12 : i32
        %sub3A_234 = vector.broadcast %sub3A_233 : i32 to vector<16xi32>
        %sub3A_235 = arith.subi %sub3A_234, %iota3A : vector<16xi32>
        %and3A_236 = arith.constant 15 : i32
        %and3A_237 = vector.broadcast %and3A_236 : i32 to vector<16xi32>
        %and3A_238 = arith.andi %sub3A_235, %and3A_237 : vector<16xi32>
        %le3A_239 = arith.constant 12 : i32
        %le3A_240 = vector.broadcast %le3A_239 : i32 to vector<16xi32>
        %le3A_241 = arith.cmpi sle, %iota3A, %le3A_240 : vector<16xi32>
        %broadcast_in_dim3A_242 = vector.shape_cast %and3A_238 : vector<16xi32> to vector<16x1xi32>
        %gather3A_243 = vector.shape_cast %broadcast_in_dim3A_242 : vector<16x1xi32> to vector<16xi32>
        %gather3A_244 = tpu.dynamic_gather %get3A_96[%gather3A_243] in [0] : vector<16xf32>, vector<16xi32> -> vector<16xf32>
        %broadcast_in_dim3A_245 = vector.shape_cast %and3A_238 : vector<16xi32> to vector<16x1xi32>
        %gather3A_246 = vector.shape_cast %broadcast_in_dim3A_245 : vector<16x1xi32> to vector<16xi32>
        %gather3A_247 = tpu.dynamic_gather %get3A_101[%gather3A_246] in [0] : vector<16xf32>, vector<16xi32> -> vector<16xf32>
        %select_n3A_248 = arith.select %le3A_241, %gather3A_244, %gather3A_247 : vector<16xi1>, vector<16xf32>
        %mul3A_249 = arith.constant 16 : i32
        %mul3A_250 = arith.muli %mul3A_249, %scan3A_82 : i32
        %multiple_of3A_251 = tpu.assume_multiple %mul3A_250, 16 : i32
        %swap3A_252 = arith.constant 0 : i32
        %swap3A_253 = arith.constant 5 : i32
        %swap3A_254 = arith.index_cast %swap3A_252 : i32 to index
        %swap3A_255 = arith.index_cast %swap3A_253 : i32 to index
        %swap3A_256 = arith.index_cast %multiple_of3A_251 : i32 to index
        %swap3A_257 = tpu.vector_load %arg5[%swap3A_254, %swap3A_255, %swap3A_256] {strides = array<i32>} : memref<2x8x4096xf32, #tpu.memory_space<vmem>>, vector<1x1x16xf32>,
        %swap3A_258 = vector.shape_cast %swap3A_257 : vector<1x1x16xf32> to vector<16xf32>
        %swap3A_259 = vector.shape_cast %select_n3A_248 : vector<16xf32> to vector<1x1x16xf32>
        tpu.vector_store %arg5[%swap3A_254, %swap3A_255, %swap3A_256], %swap3A_259 {strides = array<i32>} : memref<2x8x4096xf32, #tpu.memory_space<vmem>>, vector<1x1x16xf32>,
        %sub3A_260 = arith.constant 13 : i32
        %sub3A_261 = vector.broadcast %sub3A_260 : i32 to vector<16xi32>
        %sub3A_262 = arith.subi %sub3A_261, %iota3A : vector<16xi32>
        %and3A_263 = arith.constant 15 : i32
        %and3A_264 = vector.broadcast %and3A_263 : i32 to vector<16xi32>
        %and3A_265 = arith.andi %sub3A_262, %and3A_264 : vector<16xi32>
        %le3A_266 = arith.constant 13 : i32
        %le3A_267 = vector.broadcast %le3A_266 : i32 to vector<16xi32>
        %le3A_268 = arith.cmpi sle, %iota3A, %le3A_267 : vector<16xi32>
        %broadcast_in_dim3A_269 = vector.shape_cast %and3A_265 : vector<16xi32> to vector<16x1xi32>
        %gather3A_270 = vector.shape_cast %broadcast_in_dim3A_269 : vector<16x1xi32> to vector<16xi32>
        %gather3A_271 = tpu.dynamic_gather %get3A_96[%gather3A_270] in [0] : vector<16xf32>, vector<16xi32> -> vector<16xf32>
        %broadcast_in_dim3A_272 = vector.shape_cast %and3A_265 : vector<16xi32> to vector<16x1xi32>
        %gather3A_273 = vector.shape_cast %broadcast_in_dim3A_272 : vector<16x1xi32> to vector<16xi32>
        %gather3A_274 = tpu.dynamic_gather %get3A_101[%gather3A_273] in [0] : vector<16xf32>, vector<16xi32> -> vector<16xf32>
        %select_n3A_275 = arith.select %le3A_268, %gather3A_271, %gather3A_274 : vector<16xi1>, vector<16xf32>
        %mul3A_276 = arith.constant 16 : i32
        %mul3A_277 = arith.muli %mul3A_276, %scan3A_82 : i32
        %multiple_of3A_278 = tpu.assume_multiple %mul3A_277, 16 : i32
        %swap3A_279 = arith.constant 0 : i32
        %swap3A_280 = arith.constant 6 : i32
        %swap3A_281 = arith.index_cast %swap3A_279 : i32 to index
        %swap3A_282 = arith.index_cast %swap3A_280 : i32 to index
        %swap3A_283 = arith.index_cast %multiple_of3A_278 : i32 to index
        %swap3A_284 = tpu.vector_load %arg5[%swap3A_281, %swap3A_282, %swap3A_283] {strides = array<i32>} : memref<2x8x4096xf32, #tpu.memory_space<vmem>>, vector<1x1x16xf32>,
        %swap3A_285 = vector.shape_cast %swap3A_284 : vector<1x1x16xf32> to vector<16xf32>
        %swap3A_286 = vector.shape_cast %select_n3A_275 : vector<16xf32> to vector<1x1x16xf32>
        tpu.vector_store %arg5[%swap3A_281, %swap3A_282, %swap3A_283], %swap3A_286 {strides = array<i32>} : memref<2x8x4096xf32, #tpu.memory_space<vmem>>, vector<1x1x16xf32>,
        %sub3A_287 = arith.constant 14 : i32
        %sub3A_288 = vector.broadcast %sub3A_287 : i32 to vector<16xi32>
        %sub3A_289 = arith.subi %sub3A_288, %iota3A : vector<16xi32>
        %and3A_290 = arith.constant 15 : i32
        %and3A_291 = vector.broadcast %and3A_290 : i32 to vector<16xi32>
        %and3A_292 = arith.andi %sub3A_289, %and3A_291 : vector<16xi32>
        %le3A_293 = arith.constant 14 : i32
        %le3A_294 = vector.broadcast %le3A_293 : i32 to vector<16xi32>
        %le3A_295 = arith.cmpi sle, %iota3A, %le3A_294 : vector<16xi32>
        %broadcast_in_dim3A_296 = vector.shape_cast %and3A_292 : vector<16xi32> to vector<16x1xi32>
        %gather3A_297 = vector.shape_cast %broadcast_in_dim3A_296 : vector<16x1xi32> to vector<16xi32>
        %gather3A_298 = tpu.dynamic_gather %get3A_96[%gather3A_297] in [0] : vector<16xf32>, vector<16xi32> -> vector<16xf32>
        %broadcast_in_dim3A_299 = vector.shape_cast %and3A_292 : vector<16xi32> to vector<16x1xi32>
        %gather3A_300 = vector.shape_cast %broadcast_in_dim3A_299 : vector<16x1xi32> to vector<16xi32>
        %gather3A_301 = tpu.dynamic_gather %get3A_101[%gather3A_300] in [0] : vector<16xf32>, vector<16xi32> -> vector<16xf32>
        %select_n3A_302 = arith.select %le3A_295, %gather3A_298, %gather3A_301 : vector<16xi1>, vector<16xf32>
        %mul3A_303 = arith.constant 16 : i32
        %mul3A_304 = arith.muli %mul3A_303, %scan3A_82 : i32
        %multiple_of3A_305 = tpu.assume_multiple %mul3A_304, 16 : i32
        %swap3A_306 = arith.constant 0 : i32
        %swap3A_307 = arith.constant 7 : i32
        %swap3A_308 = arith.index_cast %swap3A_306 : i32 to index
        %swap3A_309 = arith.index_cast %swap3A_307 : i32 to index
        %swap3A_310 = arith.index_cast %multiple_of3A_305 : i32 to index
        %swap3A_311 = tpu.vector_load %arg5[%swap3A_308, %swap3A_309, %swap3A_310] {strides = array<i32>} : memref<2x8x4096xf32, #tpu.memory_space<vmem>>, vector<1x1x16xf32>,
        %swap3A_312 = vector.shape_cast %swap3A_311 : vector<1x1x16xf32> to vector<16xf32>
        %swap3A_313 = vector.shape_cast %select_n3A_302 : vector<16xf32> to vector<1x1x16xf32>
        tpu.vector_store %arg5[%swap3A_308, %swap3A_309, %swap3A_310], %swap3A_313 {strides = array<i32>} : memref<2x8x4096xf32, #tpu.memory_space<vmem>>, vector<1x1x16xf32>,
      }
      %scan3A_50 = arith.constant 256 : i32
      %mul3A_51 = arith.constant 2 : i32
      %mul3A_52 = arith.muli %mul3A_51, %scan3A_42 : i32
      %add3A_53 = arith.constant 0 : i32
      %add3A_54 = arith.addi %mul3A_52, %add3A_53 : i32
      %scan3A_55 = arith.constant 0 : i32
      %scan3A_56 = arith.constant 0 : i32
      %scan3A_57 = arith.constant 16 : i32
      %scan3A_58 = arith.addi %scan3A_56, %scan3A_57 : i32
      %scan3A_59 = arith.constant 1 : i32
      scf.for %scan3A_82 = %scan3A_56 to %scan3A_58 step %scan3A_59  : i32 {
        %mul3A_83 = arith.constant 8 : i32
        %mul3A_84 = arith.muli %mul3A_83, %select_n3A_30 : i32
        %sub3A_85 = arith.constant 15 : i32
        %sub3A_86 = arith.subi %sub3A_85, %mul3A_84 : i32
        %sub3A_87 = arith.subi %sub3A_86, %add3A_54 : i32
        %mul3A_88 = arith.constant 16 : i32
        %mul3A_89 = arith.muli %mul3A_88, %scan3A_82 : i32
        %add3A_90 = arith.addi %sub3A_87, %mul3A_89 : i32
        %mul3A_91 = arith.constant 128 : i32
        %mul3A_92 = arith.muli %mul3A_91, %scan3A_82 : i32
        %sub3A_93 = arith.constant 1920 : i32
        %sub3A_94 = arith.subi %sub3A_93, %mul3A_92 : i32
        %multiple_of3A = tpu.assume_multiple %sub3A_94, 128 : i32
        %mul3A_95 = arith.constant 8 : i32
        %mul3A_96 = arith.muli %mul3A_95, %add3A_90 : i32
        %multiple_of3A_97 = tpu.assume_multiple %mul3A_96, 8 : i32
        %dma_start3A = arith.constant 0 : i32
        %dma_start3A_98 = arith.constant 0 : i32
        %dma_start3A_99 = tpu.memref_slice %arg5[%dma_start3A, %dma_start3A_98, %multiple_of3A] : memref<2x8x4096xf32, #tpu.memory_space<vmem>> -> memref<1x8x2048xf32, #tpu.memory_space<vmem>>
        %dma_start3A_100 = tpu.memref_squeeze %dma_start3A_99 : memref<1x8x2048xf32, #tpu.memory_space<vmem>> -> memref<8x2048xf32, #tpu.memory_space<vmem>>
        %dma_start3A_101 = arith.constant 0 : i32
        %dma_start3A_102 = tpu.memref_slice %arg3[%select_n3A, %multiple_of3A_97, %dma_start3A_101] : memref<16x2048x2048xf32, #tpu.memory_space<hbm>> -> memref<1x8x2048xf32, #tpu.memory_space<hbm>>
        %dma_start3A_103 = tpu.memref_squeeze %dma_start3A_102 : memref<1x8x2048xf32, #tpu.memory_space<hbm>> -> memref<8x2048xf32, #tpu.memory_space<hbm>>
        %dma_start3A_104 = arith.constant 0 : i32
        %dma_start3A_105 = tpu.memref_slice %arg3[%select_n3A, %multiple_of3A_97, %dma_start3A_104] : memref<16x2048x2048xf32, #tpu.memory_space<hbm>> -> memref<1x8x2048xf32, #tpu.memory_space<hbm>>
        %dma_start3A_106 = tpu.memref_squeeze %dma_start3A_105 : memref<1x8x2048xf32, #tpu.memory_space<hbm>> -> memref<8x2048xf32, #tpu.memory_space<hbm>>
        %dma_start3A_107 = arith.constant 0 : i32
        %dma_start3A_108 = tpu.memref_slice %arg5[%dma_start3A, %dma_start3A_107, %multiple_of3A] : memref<2x8x4096xf32, #tpu.memory_space<vmem>> -> memref<1x8x2048xf32, #tpu.memory_space<vmem>>
        %dma_start3A_109 = tpu.memref_squeeze %dma_start3A_108 : memref<1x8x2048xf32, #tpu.memory_space<vmem>> -> memref<8x2048xf32, #tpu.memory_space<vmem>>
        tpu.enqueue_dma source(%dma_start3A_109 : memref<8x2048xf32, #tpu.memory_space<vmem>>) target(%dma_start3A_106 : memref<8x2048xf32, #tpu.memory_space<hbm>>) target_semaphore(%arg6 : memref<!tpu.dma_semaphore, #tpu.memory_space<semaphore_mem>>)
      }
      %scan3A_60 = arith.constant 16 : i32
      %gt3A_61 = arith.constant 0 : i32
      %gt3A_62 = arith.cmpi sgt, %scan3A_42, %gt3A_61 : i32
      %convert_element_type3A_63 = arith.extui %gt3A_62 : i1 to i32
      %cond3A_64 = arith.constant 0 : i32
      %cond3A_65 = arith.cmpi ne, %convert_element_type3A_63, %cond3A_64 : i32
      scf.if %cond3A_65 {
        %scan3A_82 = arith.constant 0 : i32
        %scan3A_83 = arith.constant 0 : i32
        %scan3A_84 = arith.constant 16 : i32
        %scan3A_85 = arith.addi %scan3A_83, %scan3A_84 : i32
        %scan3A_86 = arith.constant 1 : i32
        scf.for %scan3A_88 = %scan3A_83 to %scan3A_85 step %scan3A_86  : i32 {
          %dma_wait3A = arith.constant 1 : i32
          %dma_wait3A_89 = arith.constant 0 : i32
          %dma_wait3A_90 = arith.constant 0 : i32
          %dma_wait3A_91 = tpu.memref_slice %arg5[%dma_wait3A, %dma_wait3A_89, %dma_wait3A_90] : memref<2x8x4096xf32, #tpu.memory_space<vmem>> -> memref<1x8x2048xf32, #tpu.memory_space<vmem>>
          %dma_wait3A_92 = tpu.memref_squeeze %dma_wait3A_91 : memref<1x8x2048xf32, #tpu.memory_space<vmem>> -> memref<8x2048xf32, #tpu.memory_space<vmem>>
          %dma_wait3A_93 = arith.constant 0 : i32
          %dma_wait3A_94 = arith.constant 0 : i32
          %dma_wait3A_95 = tpu.memref_slice %arg3[%select_n3A, %dma_wait3A_93, %dma_wait3A_94] : memref<16x2048x2048xf32, #tpu.memory_space<hbm>> -> memref<1x8x2048xf32, #tpu.memory_space<hbm>>
          %dma_wait3A_96 = tpu.memref_squeeze %dma_wait3A_95 : memref<1x8x2048xf32, #tpu.memory_space<hbm>> -> memref<8x2048xf32, #tpu.memory_space<hbm>>
          %dma_wait3A_97 = arith.constant 0 : i32
          %dma_wait3A_98 = arith.constant 0 : i32
          %dma_wait3A_99 = tpu.memref_slice %arg3[%select_n3A, %dma_wait3A_97, %dma_wait3A_98] : memref<16x2048x2048xf32, #tpu.memory_space<hbm>> -> memref<1x8x2048xf32, #tpu.memory_space<hbm>>
          %dma_wait3A_100 = tpu.memref_squeeze %dma_wait3A_99 : memref<1x8x2048xf32, #tpu.memory_space<hbm>> -> memref<8x2048xf32, #tpu.memory_space<hbm>>
          %dma_wait3A_101 = arith.constant 0 : i32
          %dma_wait3A_102 = arith.constant 0 : i32
          %dma_wait3A_103 = tpu.memref_slice %arg5[%dma_wait3A, %dma_wait3A_101, %dma_wait3A_102] : memref<2x8x4096xf32, #tpu.memory_space<vmem>> -> memref<1x8x2048xf32, #tpu.memory_space<vmem>>
          %dma_wait3A_104 = tpu.memref_squeeze %dma_wait3A_103 : memref<1x8x2048xf32, #tpu.memory_space<vmem>> -> memref<8x2048xf32, #tpu.memory_space<vmem>>
          tpu.wait_dma2 semaphore(%arg6 : memref<!tpu.dma_semaphore, #tpu.memory_space<semaphore_mem>>) src(%dma_wait3A_104 : memref<8x2048xf32, #tpu.memory_space<vmem>>) dst(%dma_wait3A_100 : memref<8x2048xf32, #tpu.memory_space<hbm>>)
        }
        %scan3A_87 = arith.constant 16 : i32
      } else {
      }
      %scan3A_66 = arith.constant 0 : i32
      %scan3A_67 = arith.constant 0 : i32
      %scan3A_68 = arith.constant 256 : i32
      %scan3A_69 = arith.addi %scan3A_67, %scan3A_68 : i32
      %scan3A_70 = arith.constant 1 : i32
      scf.for %scan3A_82 = %scan3A_67 to %scan3A_69 step %scan3A_70  : i32 {
        %mul3A_83 = arith.constant -16 : i32
        %mul3A_84 = arith.muli %mul3A_83, %scan3A_42 : i32
        %mul3A_85 = arith.constant 64 : i32
        %mul3A_86 = arith.muli %mul3A_85, %select_n3A_30 : i32
        %sub3A_87 = arith.subi %mul3A_84, %mul3A_86 : i32
        %mul3A_88 = arith.constant 16 : i32
        %mul3A_89 = arith.muli %mul3A_88, %scan3A_82 : i32
        %sub3A_90 = arith.subi %sub3A_87, %mul3A_89 : i32
        %add3A_91 = arith.constant 6128 : i32
        %add3A_92 = arith.addi %sub3A_90, %add3A_91 : i32
        %multiple_of3A = tpu.assume_multiple %add3A_92, 16 : i32
        %sub3A_93 = arith.constant 0 : i32
        %sub3A_94 = arith.subi %multiple_of3A, %sub3A_93 : i32
        %get3A = arith.index_cast %sub3A_94 : i32 to index
        %get3A_95 = tpu.vector_load %arg4[%get3A] {strides = array<i32>} : memref<8191xf32, #tpu.memory_space<vmem>>, vector<16xf32>,
        %get3A_96 = vector.shape_cast %get3A_95 : vector<16xf32> to vector<16xf32>
        %sub3A_97 = arith.constant 16 : i32
        %sub3A_98 = arith.subi %multiple_of3A, %sub3A_97 : i32
        %get3A_99 = arith.index_cast %sub3A_98 : i32 to index
        %get3A_100 = tpu.vector_load %arg4[%get3A_99] {strides = array<i32>} : memref<8191xf32, #tpu.memory_space<vmem>>, vector<16xf32>,
        %get3A_101 = vector.shape_cast %get3A_100 : vector<16xf32> to vector<16xf32>
        %sub3A_102 = arith.constant 32 : i32
        %sub3A_103 = arith.subi %multiple_of3A, %sub3A_102 : i32
        %get3A_104 = arith.index_cast %sub3A_103 : i32 to index
        %get3A_105 = tpu.vector_load %arg4[%get3A_104] {strides = array<i32>} : memref<8191xf32, #tpu.memory_space<vmem>>, vector<16xf32>,
        %get3A_106 = vector.shape_cast %get3A_105 : vector<16xf32> to vector<16xf32>
        %sub3A_107 = arith.constant 15 : i32
        %sub3A_108 = vector.broadcast %sub3A_107 : i32 to vector<16xi32>
        %sub3A_109 = arith.subi %sub3A_108, %iota3A : vector<16xi32>
        %and3A_110 = arith.constant 15 : i32
        %and3A_111 = vector.broadcast %and3A_110 : i32 to vector<16xi32>
        %and3A_112 = arith.andi %sub3A_109, %and3A_111 : vector<16xi32>
        %le3A = arith.constant 15 : i32
        %le3A_113 = vector.broadcast %le3A : i32 to vector<16xi32>
        %le3A_114 = arith.cmpi sle, %iota3A, %le3A_113 : vector<16xi32>
        %broadcast_in_dim3A = vector.shape_cast %and3A_112 : vector<16xi32> to vector<16x1xi32>
        %gather3A = vector.shape_cast %broadcast_in_dim3A : vector<16x1xi32> to vector<16xi32>
        %gather3A_115 = tpu.dynamic_gather %get3A_101[%gather3A] in [0] : vector<16xf32>, vector<16xi32> -> vector<16xf32>
        %broadcast_in_dim3A_116 = vector.shape_cast %and3A_112 : vector<16xi32> to vector<16x1xi32>
        %gather3A_117 = vector.shape_cast %broadcast_in_dim3A_116 : vector<16x1xi32> to vector<16xi32>
        %gather3A_118 = tpu.dynamic_gather %get3A_106[%gather3A_117] in [0] : vector<16xf32>, vector<16xi32> -> vector<16xf32>
        %select_n3A_119 = arith.select %le3A_114, %gather3A_115, %gather3A_118 : vector<16xi1>, vector<16xf32>
        %mul3A_120 = arith.constant 16 : i32
        %mul3A_121 = arith.muli %mul3A_120, %scan3A_82 : i32
        %multiple_of3A_122 = tpu.assume_multiple %mul3A_121, 16 : i32
        %swap3A = arith.constant 1 : i32
        %swap3A_123 = arith.constant 0 : i32
        %swap3A_124 = arith.index_cast %swap3A : i32 to index
        %swap3A_125 = arith.index_cast %swap3A_123 : i32 to index
        %swap3A_126 = arith.index_cast %multiple_of3A_122 : i32 to index
        %swap3A_127 = tpu.vector_load %arg5[%swap3A_124, %swap3A_125, %swap3A_126] {strides = array<i32>} : memref<2x8x4096xf32, #tpu.memory_space<vmem>>, vector<1x1x16xf32>,
        %swap3A_128 = vector.shape_cast %swap3A_127 : vector<1x1x16xf32> to vector<16xf32>
        %swap3A_129 = vector.shape_cast %select_n3A_119 : vector<16xf32> to vector<1x1x16xf32>
        tpu.vector_store %arg5[%swap3A_124, %swap3A_125, %swap3A_126], %swap3A_129 {strides = array<i32>} : memref<2x8x4096xf32, #tpu.memory_space<vmem>>, vector<1x1x16xf32>,
        %sub3A_130 = arith.constant 0 : i32
        %sub3A_131 = vector.broadcast %sub3A_130 : i32 to vector<16xi32>
        %sub3A_132 = arith.subi %sub3A_131, %iota3A : vector<16xi32>
        %and3A_133 = arith.constant 15 : i32
        %and3A_134 = vector.broadcast %and3A_133 : i32 to vector<16xi32>
        %and3A_135 = arith.andi %sub3A_132, %and3A_134 : vector<16xi32>
        %le3A_136 = arith.constant 0 : i32
        %le3A_137 = vector.broadcast %le3A_136 : i32 to vector<16xi32>
        %le3A_138 = arith.cmpi sle, %iota3A, %le3A_137 : vector<16xi32>
        %broadcast_in_dim3A_139 = vector.shape_cast %and3A_135 : vector<16xi32> to vector<16x1xi32>
        %gather3A_140 = vector.shape_cast %broadcast_in_dim3A_139 : vector<16x1xi32> to vector<16xi32>
        %gather3A_141 = tpu.dynamic_gather %get3A_96[%gather3A_140] in [0] : vector<16xf32>, vector<16xi32> -> vector<16xf32>
        %broadcast_in_dim3A_142 = vector.shape_cast %and3A_135 : vector<16xi32> to vector<16x1xi32>
        %gather3A_143 = vector.shape_cast %broadcast_in_dim3A_142 : vector<16x1xi32> to vector<16xi32>
        %gather3A_144 = tpu.dynamic_gather %get3A_101[%gather3A_143] in [0] : vector<16xf32>, vector<16xi32> -> vector<16xf32>
        %select_n3A_145 = arith.select %le3A_138, %gather3A_141, %gather3A_144 : vector<16xi1>, vector<16xf32>
        %mul3A_146 = arith.constant 16 : i32
        %mul3A_147 = arith.muli %mul3A_146, %scan3A_82 : i32
        %multiple_of3A_148 = tpu.assume_multiple %mul3A_147, 16 : i32
        %swap3A_149 = arith.constant 1 : i32
        %swap3A_150 = arith.constant 1 : i32
        %swap3A_151 = arith.index_cast %swap3A_149 : i32 to index
        %swap3A_152 = arith.index_cast %swap3A_150 : i32 to index
        %swap3A_153 = arith.index_cast %multiple_of3A_148 : i32 to index
        %swap3A_154 = tpu.vector_load %arg5[%swap3A_151, %swap3A_152, %swap3A_153] {strides = array<i32>} : memref<2x8x4096xf32, #tpu.memory_space<vmem>>, vector<1x1x16xf32>,
        %swap3A_155 = vector.shape_cast %swap3A_154 : vector<1x1x16xf32> to vector<16xf32>
        %swap3A_156 = vector.shape_cast %select_n3A_145 : vector<16xf32> to vector<1x1x16xf32>
        tpu.vector_store %arg5[%swap3A_151, %swap3A_152, %swap3A_153], %swap3A_156 {strides = array<i32>} : memref<2x8x4096xf32, #tpu.memory_space<vmem>>, vector<1x1x16xf32>,
        %sub3A_157 = arith.constant 1 : i32
        %sub3A_158 = vector.broadcast %sub3A_157 : i32 to vector<16xi32>
        %sub3A_159 = arith.subi %sub3A_158, %iota3A : vector<16xi32>
        %and3A_160 = arith.constant 15 : i32
        %and3A_161 = vector.broadcast %and3A_160 : i32 to vector<16xi32>
        %and3A_162 = arith.andi %sub3A_159, %and3A_161 : vector<16xi32>
        %le3A_163 = arith.constant 1 : i32
        %le3A_164 = vector.broadcast %le3A_163 : i32 to vector<16xi32>
        %le3A_165 = arith.cmpi sle, %iota3A, %le3A_164 : vector<16xi32>
        %broadcast_in_dim3A_166 = vector.shape_cast %and3A_162 : vector<16xi32> to vector<16x1xi32>
        %gather3A_167 = vector.shape_cast %broadcast_in_dim3A_166 : vector<16x1xi32> to vector<16xi32>
        %gather3A_168 = tpu.dynamic_gather %get3A_96[%gather3A_167] in [0] : vector<16xf32>, vector<16xi32> -> vector<16xf32>
        %broadcast_in_dim3A_169 = vector.shape_cast %and3A_162 : vector<16xi32> to vector<16x1xi32>
        %gather3A_170 = vector.shape_cast %broadcast_in_dim3A_169 : vector<16x1xi32> to vector<16xi32>
        %gather3A_171 = tpu.dynamic_gather %get3A_101[%gather3A_170] in [0] : vector<16xf32>, vector<16xi32> -> vector<16xf32>
        %select_n3A_172 = arith.select %le3A_165, %gather3A_168, %gather3A_171 : vector<16xi1>, vector<16xf32>
        %mul3A_173 = arith.constant 16 : i32
        %mul3A_174 = arith.muli %mul3A_173, %scan3A_82 : i32
        %multiple_of3A_175 = tpu.assume_multiple %mul3A_174, 16 : i32
        %swap3A_176 = arith.constant 1 : i32
        %swap3A_177 = arith.constant 2 : i32
        %swap3A_178 = arith.index_cast %swap3A_176 : i32 to index
        %swap3A_179 = arith.index_cast %swap3A_177 : i32 to index
        %swap3A_180 = arith.index_cast %multiple_of3A_175 : i32 to index
        %swap3A_181 = tpu.vector_load %arg5[%swap3A_178, %swap3A_179, %swap3A_180] {strides = array<i32>} : memref<2x8x4096xf32, #tpu.memory_space<vmem>>, vector<1x1x16xf32>,
        %swap3A_182 = vector.shape_cast %swap3A_181 : vector<1x1x16xf32> to vector<16xf32>
        %swap3A_183 = vector.shape_cast %select_n3A_172 : vector<16xf32> to vector<1x1x16xf32>
        tpu.vector_store %arg5[%swap3A_178, %swap3A_179, %swap3A_180], %swap3A_183 {strides = array<i32>} : memref<2x8x4096xf32, #tpu.memory_space<vmem>>, vector<1x1x16xf32>,
        %sub3A_184 = arith.constant 2 : i32
        %sub3A_185 = vector.broadcast %sub3A_184 : i32 to vector<16xi32>
        %sub3A_186 = arith.subi %sub3A_185, %iota3A : vector<16xi32>
        %and3A_187 = arith.constant 15 : i32
        %and3A_188 = vector.broadcast %and3A_187 : i32 to vector<16xi32>
        %and3A_189 = arith.andi %sub3A_186, %and3A_188 : vector<16xi32>
        %le3A_190 = arith.constant 2 : i32
        %le3A_191 = vector.broadcast %le3A_190 : i32 to vector<16xi32>
        %le3A_192 = arith.cmpi sle, %iota3A, %le3A_191 : vector<16xi32>
        %broadcast_in_dim3A_193 = vector.shape_cast %and3A_189 : vector<16xi32> to vector<16x1xi32>
        %gather3A_194 = vector.shape_cast %broadcast_in_dim3A_193 : vector<16x1xi32> to vector<16xi32>
        %gather3A_195 = tpu.dynamic_gather %get3A_96[%gather3A_194] in [0] : vector<16xf32>, vector<16xi32> -> vector<16xf32>
        %broadcast_in_dim3A_196 = vector.shape_cast %and3A_189 : vector<16xi32> to vector<16x1xi32>
        %gather3A_197 = vector.shape_cast %broadcast_in_dim3A_196 : vector<16x1xi32> to vector<16xi32>
        %gather3A_198 = tpu.dynamic_gather %get3A_101[%gather3A_197] in [0] : vector<16xf32>, vector<16xi32> -> vector<16xf32>
        %select_n3A_199 = arith.select %le3A_192, %gather3A_195, %gather3A_198 : vector<16xi1>, vector<16xf32>
        %mul3A_200 = arith.constant 16 : i32
        %mul3A_201 = arith.muli %mul3A_200, %scan3A_82 : i32
        %multiple_of3A_202 = tpu.assume_multiple %mul3A_201, 16 : i32
        %swap3A_203 = arith.constant 1 : i32
        %swap3A_204 = arith.constant 3 : i32
        %swap3A_205 = arith.index_cast %swap3A_203 : i32 to index
        %swap3A_206 = arith.index_cast %swap3A_204 : i32 to index
        %swap3A_207 = arith.index_cast %multiple_of3A_202 : i32 to index
        %swap3A_208 = tpu.vector_load %arg5[%swap3A_205, %swap3A_206, %swap3A_207] {strides = array<i32>} : memref<2x8x4096xf32, #tpu.memory_space<vmem>>, vector<1x1x16xf32>,
        %swap3A_209 = vector.shape_cast %swap3A_208 : vector<1x1x16xf32> to vector<16xf32>
        %swap3A_210 = vector.shape_cast %select_n3A_199 : vector<16xf32> to vector<1x1x16xf32>
        tpu.vector_store %arg5[%swap3A_205, %swap3A_206, %swap3A_207], %swap3A_210 {strides = array<i32>} : memref<2x8x4096xf32, #tpu.memory_space<vmem>>, vector<1x1x16xf32>,
        %sub3A_211 = arith.constant 3 : i32
        %sub3A_212 = vector.broadcast %sub3A_211 : i32 to vector<16xi32>
        %sub3A_213 = arith.subi %sub3A_212, %iota3A : vector<16xi32>
        %and3A_214 = arith.constant 15 : i32
        %and3A_215 = vector.broadcast %and3A_214 : i32 to vector<16xi32>
        %and3A_216 = arith.andi %sub3A_213, %and3A_215 : vector<16xi32>
        %le3A_217 = arith.constant 3 : i32
        %le3A_218 = vector.broadcast %le3A_217 : i32 to vector<16xi32>
        %le3A_219 = arith.cmpi sle, %iota3A, %le3A_218 : vector<16xi32>
        %broadcast_in_dim3A_220 = vector.shape_cast %and3A_216 : vector<16xi32> to vector<16x1xi32>
        %gather3A_221 = vector.shape_cast %broadcast_in_dim3A_220 : vector<16x1xi32> to vector<16xi32>
        %gather3A_222 = tpu.dynamic_gather %get3A_96[%gather3A_221] in [0] : vector<16xf32>, vector<16xi32> -> vector<16xf32>
        %broadcast_in_dim3A_223 = vector.shape_cast %and3A_216 : vector<16xi32> to vector<16x1xi32>
        %gather3A_224 = vector.shape_cast %broadcast_in_dim3A_223 : vector<16x1xi32> to vector<16xi32>
        %gather3A_225 = tpu.dynamic_gather %get3A_101[%gather3A_224] in [0] : vector<16xf32>, vector<16xi32> -> vector<16xf32>
        %select_n3A_226 = arith.select %le3A_219, %gather3A_222, %gather3A_225 : vector<16xi1>, vector<16xf32>
        %mul3A_227 = arith.constant 16 : i32
        %mul3A_228 = arith.muli %mul3A_227, %scan3A_82 : i32
        %multiple_of3A_229 = tpu.assume_multiple %mul3A_228, 16 : i32
        %swap3A_230 = arith.constant 1 : i32
        %swap3A_231 = arith.constant 4 : i32
        %swap3A_232 = arith.index_cast %swap3A_230 : i32 to index
        %swap3A_233 = arith.index_cast %swap3A_231 : i32 to index
        %swap3A_234 = arith.index_cast %multiple_of3A_229 : i32 to index
        %swap3A_235 = tpu.vector_load %arg5[%swap3A_232, %swap3A_233, %swap3A_234] {strides = array<i32>} : memref<2x8x4096xf32, #tpu.memory_space<vmem>>, vector<1x1x16xf32>,
        %swap3A_236 = vector.shape_cast %swap3A_235 : vector<1x1x16xf32> to vector<16xf32>
        %swap3A_237 = vector.shape_cast %select_n3A_226 : vector<16xf32> to vector<1x1x16xf32>
        tpu.vector_store %arg5[%swap3A_232, %swap3A_233, %swap3A_234], %swap3A_237 {strides = array<i32>} : memref<2x8x4096xf32, #tpu.memory_space<vmem>>, vector<1x1x16xf32>,
        %sub3A_238 = arith.constant 4 : i32
        %sub3A_239 = vector.broadcast %sub3A_238 : i32 to vector<16xi32>
        %sub3A_240 = arith.subi %sub3A_239, %iota3A : vector<16xi32>
        %and3A_241 = arith.constant 15 : i32
        %and3A_242 = vector.broadcast %and3A_241 : i32 to vector<16xi32>
        %and3A_243 = arith.andi %sub3A_240, %and3A_242 : vector<16xi32>
        %le3A_244 = arith.constant 4 : i32
        %le3A_245 = vector.broadcast %le3A_244 : i32 to vector<16xi32>
        %le3A_246 = arith.cmpi sle, %iota3A, %le3A_245 : vector<16xi32>
        %broadcast_in_dim3A_247 = vector.shape_cast %and3A_243 : vector<16xi32> to vector<16x1xi32>
        %gather3A_248 = vector.shape_cast %broadcast_in_dim3A_247 : vector<16x1xi32> to vector<16xi32>
        %gather3A_249 = tpu.dynamic_gather %get3A_96[%gather3A_248] in [0] : vector<16xf32>, vector<16xi32> -> vector<16xf32>
        %broadcast_in_dim3A_250 = vector.shape_cast %and3A_243 : vector<16xi32> to vector<16x1xi32>
        %gather3A_251 = vector.shape_cast %broadcast_in_dim3A_250 : vector<16x1xi32> to vector<16xi32>
        %gather3A_252 = tpu.dynamic_gather %get3A_101[%gather3A_251] in [0] : vector<16xf32>, vector<16xi32> -> vector<16xf32>
        %select_n3A_253 = arith.select %le3A_246, %gather3A_249, %gather3A_252 : vector<16xi1>, vector<16xf32>
        %mul3A_254 = arith.constant 16 : i32
        %mul3A_255 = arith.muli %mul3A_254, %scan3A_82 : i32
        %multiple_of3A_256 = tpu.assume_multiple %mul3A_255, 16 : i32
        %swap3A_257 = arith.constant 1 : i32
        %swap3A_258 = arith.constant 5 : i32
        %swap3A_259 = arith.index_cast %swap3A_257 : i32 to index
        %swap3A_260 = arith.index_cast %swap3A_258 : i32 to index
        %swap3A_261 = arith.index_cast %multiple_of3A_256 : i32 to index
        %swap3A_262 = tpu.vector_load %arg5[%swap3A_259, %swap3A_260, %swap3A_261] {strides = array<i32>} : memref<2x8x4096xf32, #tpu.memory_space<vmem>>, vector<1x1x16xf32>,
        %swap3A_263 = vector.shape_cast %swap3A_262 : vector<1x1x16xf32> to vector<16xf32>
        %swap3A_264 = vector.shape_cast %select_n3A_253 : vector<16xf32> to vector<1x1x16xf32>
        tpu.vector_store %arg5[%swap3A_259, %swap3A_260, %swap3A_261], %swap3A_264 {strides = array<i32>} : memref<2x8x4096xf32, #tpu.memory_space<vmem>>, vector<1x1x16xf32>,
        %sub3A_265 = arith.constant 5 : i32
        %sub3A_266 = vector.broadcast %sub3A_265 : i32 to vector<16xi32>
        %sub3A_267 = arith.subi %sub3A_266, %iota3A : vector<16xi32>
        %and3A_268 = arith.constant 15 : i32
        %and3A_269 = vector.broadcast %and3A_268 : i32 to vector<16xi32>
        %and3A_270 = arith.andi %sub3A_267, %and3A_269 : vector<16xi32>
        %le3A_271 = arith.constant 5 : i32
        %le3A_272 = vector.broadcast %le3A_271 : i32 to vector<16xi32>
        %le3A_273 = arith.cmpi sle, %iota3A, %le3A_272 : vector<16xi32>
        %broadcast_in_dim3A_274 = vector.shape_cast %and3A_270 : vector<16xi32> to vector<16x1xi32>
        %gather3A_275 = vector.shape_cast %broadcast_in_dim3A_274 : vector<16x1xi32> to vector<16xi32>
        %gather3A_276 = tpu.dynamic_gather %get3A_96[%gather3A_275] in [0] : vector<16xf32>, vector<16xi32> -> vector<16xf32>
        %broadcast_in_dim3A_277 = vector.shape_cast %and3A_270 : vector<16xi32> to vector<16x1xi32>
        %gather3A_278 = vector.shape_cast %broadcast_in_dim3A_277 : vector<16x1xi32> to vector<16xi32>
        %gather3A_279 = tpu.dynamic_gather %get3A_101[%gather3A_278] in [0] : vector<16xf32>, vector<16xi32> -> vector<16xf32>
        %select_n3A_280 = arith.select %le3A_273, %gather3A_276, %gather3A_279 : vector<16xi1>, vector<16xf32>
        %mul3A_281 = arith.constant 16 : i32
        %mul3A_282 = arith.muli %mul3A_281, %scan3A_82 : i32
        %multiple_of3A_283 = tpu.assume_multiple %mul3A_282, 16 : i32
        %swap3A_284 = arith.constant 1 : i32
        %swap3A_285 = arith.constant 6 : i32
        %swap3A_286 = arith.index_cast %swap3A_284 : i32 to index
        %swap3A_287 = arith.index_cast %swap3A_285 : i32 to index
        %swap3A_288 = arith.index_cast %multiple_of3A_283 : i32 to index
        %swap3A_289 = tpu.vector_load %arg5[%swap3A_286, %swap3A_287, %swap3A_288] {strides = array<i32>} : memref<2x8x4096xf32, #tpu.memory_space<vmem>>, vector<1x1x16xf32>,
        %swap3A_290 = vector.shape_cast %swap3A_289 : vector<1x1x16xf32> to vector<16xf32>
        %swap3A_291 = vector.shape_cast %select_n3A_280 : vector<16xf32> to vector<1x1x16xf32>
        tpu.vector_store %arg5[%swap3A_286, %swap3A_287, %swap3A_288], %swap3A_291 {strides = array<i32>} : memref<2x8x4096xf32, #tpu.memory_space<vmem>>, vector<1x1x16xf32>,
        %sub3A_292 = arith.constant 6 : i32
        %sub3A_293 = vector.broadcast %sub3A_292 : i32 to vector<16xi32>
        %sub3A_294 = arith.subi %sub3A_293, %iota3A : vector<16xi32>
        %and3A_295 = arith.constant 15 : i32
        %and3A_296 = vector.broadcast %and3A_295 : i32 to vector<16xi32>
        %and3A_297 = arith.andi %sub3A_294, %and3A_296 : vector<16xi32>
        %le3A_298 = arith.constant 6 : i32
        %le3A_299 = vector.broadcast %le3A_298 : i32 to vector<16xi32>
        %le3A_300 = arith.cmpi sle, %iota3A, %le3A_299 : vector<16xi32>
        %broadcast_in_dim3A_301 = vector.shape_cast %and3A_297 : vector<16xi32> to vector<16x1xi32>
        %gather3A_302 = vector.shape_cast %broadcast_in_dim3A_301 : vector<16x1xi32> to vector<16xi32>
        %gather3A_303 = tpu.dynamic_gather %get3A_96[%gather3A_302] in [0] : vector<16xf32>, vector<16xi32> -> vector<16xf32>
        %broadcast_in_dim3A_304 = vector.shape_cast %and3A_297 : vector<16xi32> to vector<16x1xi32>
        %gather3A_305 = vector.shape_cast %broadcast_in_dim3A_304 : vector<16x1xi32> to vector<16xi32>
        %gather3A_306 = tpu.dynamic_gather %get3A_101[%gather3A_305] in [0] : vector<16xf32>, vector<16xi32> -> vector<16xf32>
        %select_n3A_307 = arith.select %le3A_300, %gather3A_303, %gather3A_306 : vector<16xi1>, vector<16xf32>
        %mul3A_308 = arith.constant 16 : i32
        %mul3A_309 = arith.muli %mul3A_308, %scan3A_82 : i32
        %multiple_of3A_310 = tpu.assume_multiple %mul3A_309, 16 : i32
        %swap3A_311 = arith.constant 1 : i32
        %swap3A_312 = arith.constant 7 : i32
        %swap3A_313 = arith.index_cast %swap3A_311 : i32 to index
        %swap3A_314 = arith.index_cast %swap3A_312 : i32 to index
        %swap3A_315 = arith.index_cast %multiple_of3A_310 : i32 to index
        %swap3A_316 = tpu.vector_load %arg5[%swap3A_313, %swap3A_314, %swap3A_315] {strides = array<i32>} : memref<2x8x4096xf32, #tpu.memory_space<vmem>>, vector<1x1x16xf32>,
        %swap3A_317 = vector.shape_cast %swap3A_316 : vector<1x1x16xf32> to vector<16xf32>
        %swap3A_318 = vector.shape_cast %select_n3A_307 : vector<16xf32> to vector<1x1x16xf32>
        tpu.vector_store %arg5[%swap3A_313, %swap3A_314, %swap3A_315], %swap3A_318 {strides = array<i32>} : memref<2x8x4096xf32, #tpu.memory_space<vmem>>, vector<1x1x16xf32>,
      }
      %scan3A_71 = arith.constant 256 : i32
      %mul3A_72 = arith.constant 2 : i32
      %mul3A_73 = arith.muli %mul3A_72, %scan3A_42 : i32
      %add3A_74 = arith.constant 1 : i32
      %add3A_75 = arith.addi %mul3A_73, %add3A_74 : i32
      %scan3A_76 = arith.constant 0 : i32
      %scan3A_77 = arith.constant 0 : i32
      %scan3A_78 = arith.constant 16 : i32
      %scan3A_79 = arith.addi %scan3A_77, %scan3A_78 : i32
      %scan3A_80 = arith.constant 1 : i32
      scf.for %scan3A_82 = %scan3A_77 to %scan3A_79 step %scan3A_80  : i32 {
        %mul3A_83 = arith.constant 8 : i32
        %mul3A_84 = arith.muli %mul3A_83, %select_n3A_30 : i32
        %sub3A_85 = arith.constant 15 : i32
        %sub3A_86 = arith.subi %sub3A_85, %mul3A_84 : i32
        %sub3A_87 = arith.subi %sub3A_86, %add3A_75 : i32
        %mul3A_88 = arith.constant 16 : i32
        %mul3A_89 = arith.muli %mul3A_88, %scan3A_82 : i32
        %add3A_90 = arith.addi %sub3A_87, %mul3A_89 : i32
        %mul3A_91 = arith.constant 128 : i32
        %mul3A_92 = arith.muli %mul3A_91, %scan3A_82 : i32
        %sub3A_93 = arith.constant 1920 : i32
        %sub3A_94 = arith.subi %sub3A_93, %mul3A_92 : i32
        %multiple_of3A = tpu.assume_multiple %sub3A_94, 128 : i32
        %mul3A_95 = arith.constant 8 : i32
        %mul3A_96 = arith.muli %mul3A_95, %add3A_90 : i32
        %multiple_of3A_97 = tpu.assume_multiple %mul3A_96, 8 : i32
        %dma_start3A = arith.constant 1 : i32
        %dma_start3A_98 = arith.constant 0 : i32
        %dma_start3A_99 = tpu.memref_slice %arg5[%dma_start3A, %dma_start3A_98, %multiple_of3A] : memref<2x8x4096xf32, #tpu.memory_space<vmem>> -> memref<1x8x2048xf32, #tpu.memory_space<vmem>>
        %dma_start3A_100 = tpu.memref_squeeze %dma_start3A_99 : memref<1x8x2048xf32, #tpu.memory_space<vmem>> -> memref<8x2048xf32, #tpu.memory_space<vmem>>
        %dma_start3A_101 = arith.constant 0 : i32
        %dma_start3A_102 = tpu.memref_slice %arg3[%select_n3A, %multiple_of3A_97, %dma_start3A_101] : memref<16x2048x2048xf32, #tpu.memory_space<hbm>> -> memref<1x8x2048xf32, #tpu.memory_space<hbm>>
        %dma_start3A_103 = tpu.memref_squeeze %dma_start3A_102 : memref<1x8x2048xf32, #tpu.memory_space<hbm>> -> memref<8x2048xf32, #tpu.memory_space<hbm>>
        %dma_start3A_104 = arith.constant 0 : i32
        %dma_start3A_105 = tpu.memref_slice %arg3[%select_n3A, %multiple_of3A_97, %dma_start3A_104] : memref<16x2048x2048xf32, #tpu.memory_space<hbm>> -> memref<1x8x2048xf32, #tpu.memory_space<hbm>>
        %dma_start3A_106 = tpu.memref_squeeze %dma_start3A_105 : memref<1x8x2048xf32, #tpu.memory_space<hbm>> -> memref<8x2048xf32, #tpu.memory_space<hbm>>
        %dma_start3A_107 = arith.constant 0 : i32
        %dma_start3A_108 = tpu.memref_slice %arg5[%dma_start3A, %dma_start3A_107, %multiple_of3A] : memref<2x8x4096xf32, #tpu.memory_space<vmem>> -> memref<1x8x2048xf32, #tpu.memory_space<vmem>>
        %dma_start3A_109 = tpu.memref_squeeze %dma_start3A_108 : memref<1x8x2048xf32, #tpu.memory_space<vmem>> -> memref<8x2048xf32, #tpu.memory_space<vmem>>
        tpu.enqueue_dma source(%dma_start3A_109 : memref<8x2048xf32, #tpu.memory_space<vmem>>) target(%dma_start3A_106 : memref<8x2048xf32, #tpu.memory_space<hbm>>) target_semaphore(%arg6 : memref<!tpu.dma_semaphore, #tpu.memory_space<semaphore_mem>>)
      }
      %scan3A_81 = arith.constant 16 : i32
    }
    %scan3A_35 = arith.constant 4 : i32
    %scan3A_36 = arith.constant 0 : i32
    %scan3A_37 = arith.constant 0 : i32
    %scan3A_38 = arith.constant 16 : i32
    %scan3A_39 = arith.addi %scan3A_37, %scan3A_38 : i32
    %scan3A_40 = arith.constant 1 : i32
    scf.for %scan3A_42 = %scan3A_37 to %scan3A_39 step %scan3A_40  : i32 {
      %dma_wait3A = arith.constant 0 : i32
      %dma_wait3A_43 = arith.constant 0 : i32
      %dma_wait3A_44 = arith.constant 0 : i32
      %dma_wait3A_45 = tpu.memref_slice %arg5[%dma_wait3A, %dma_wait3A_43, %dma_wait3A_44] : memref<2x8x4096xf32, #tpu.memory_space<vmem>> -> memref<1x8x2048xf32, #tpu.memory_space<vmem>>
      %dma_wait3A_46 = tpu.memref_squeeze %dma_wait3A_45 : memref<1x8x2048xf32, #tpu.memory_space<vmem>> -> memref<8x2048xf32, #tpu.memory_space<vmem>>
      %dma_wait3A_47 = arith.constant 0 : i32
      %dma_wait3A_48 = arith.constant 0 : i32
      %dma_wait3A_49 = tpu.memref_slice %arg3[%select_n3A, %dma_wait3A_47, %dma_wait3A_48] : memref<16x2048x2048xf32, #tpu.memory_space<hbm>> -> memref<1x8x2048xf32, #tpu.memory_space<hbm>>
      %dma_wait3A_50 = tpu.memref_squeeze %dma_wait3A_49 : memref<1x8x2048xf32, #tpu.memory_space<hbm>> -> memref<8x2048xf32, #tpu.memory_space<hbm>>
      %dma_wait3A_51 = arith.constant 0 : i32
      %dma_wait3A_52 = arith.constant 0 : i32
      %dma_wait3A_53 = tpu.memref_slice %arg3[%select_n3A, %dma_wait3A_51, %dma_wait3A_52] : memref<16x2048x2048xf32, #tpu.memory_space<hbm>> -> memref<1x8x2048xf32, #tpu.memory_space<hbm>>
      %dma_wait3A_54 = tpu.memref_squeeze %dma_wait3A_53 : memref<1x8x2048xf32, #tpu.memory_space<hbm>> -> memref<8x2048xf32, #tpu.memory_space<hbm>>
      %dma_wait3A_55 = arith.constant 0 : i32
      %dma_wait3A_56 = arith.constant 0 : i32
      %dma_wait3A_57 = tpu.memref_slice %arg5[%dma_wait3A, %dma_wait3A_55, %dma_wait3A_56] : memref<2x8x4096xf32, #tpu.memory_space<vmem>> -> memref<1x8x2048xf32, #tpu.memory_space<vmem>>
      %dma_wait3A_58 = tpu.memref_squeeze %dma_wait3A_57 : memref<1x8x2048xf32, #tpu.memory_space<vmem>> -> memref<8x2048xf32, #tpu.memory_space<vmem>>
      tpu.wait_dma2 semaphore(%arg6 : memref<!tpu.dma_semaphore, #tpu.memory_space<semaphore_mem>>) src(%dma_wait3A_58 : memref<8x2048xf32, #tpu.memory_space<vmem>>) dst(%dma_wait3A_54 : memref<8x2048xf32, #tpu.memory_space<hbm>>)
      %dma_wait3A_59 = arith.constant 1 : i32
      %dma_wait3A_60 = arith.constant 0 : i32
      %dma_wait3A_61 = arith.constant 0 : i32
      %dma_wait3A_62 = tpu.memref_slice %arg5[%dma_wait3A_59, %dma_wait3A_60, %dma_wait3A_61] : memref<2x8x4096xf32, #tpu.memory_space<vmem>> -> memref<1x8x2048xf32, #tpu.memory_space<vmem>>
      %dma_wait3A_63 = tpu.memref_squeeze %dma_wait3A_62 : memref<1x8x2048xf32, #tpu.memory_space<vmem>> -> memref<8x2048xf32, #tpu.memory_space<vmem>>
      %dma_wait3A_64 = arith.constant 0 : i32
      %dma_wait3A_65 = arith.constant 0 : i32
      %dma_wait3A_66 = tpu.memref_slice %arg3[%select_n3A, %dma_wait3A_64, %dma_wait3A_65] : memref<16x2048x2048xf32, #tpu.memory_space<hbm>> -> memref<1x8x2048xf32, #tpu.memory_space<hbm>>
      %dma_wait3A_67 = tpu.memref_squeeze %dma_wait3A_66 : memref<1x8x2048xf32, #tpu.memory_space<hbm>> -> memref<8x2048xf32, #tpu.memory_space<hbm>>
      %dma_wait3A_68 = arith.constant 0 : i32
      %dma_wait3A_69 = arith.constant 0 : i32
      %dma_wait3A_70 = tpu.memref_slice %arg3[%select_n3A, %dma_wait3A_68, %dma_wait3A_69] : memref<16x2048x2048xf32, #tpu.memory_space<hbm>> -> memref<1x8x2048xf32, #tpu.memory_space<hbm>>
      %dma_wait3A_71 = tpu.memref_squeeze %dma_wait3A_70 : memref<1x8x2048xf32, #tpu.memory_space<hbm>> -> memref<8x2048xf32, #tpu.memory_space<hbm>>
      %dma_wait3A_72 = arith.constant 0 : i32
      %dma_wait3A_73 = arith.constant 0 : i32
      %dma_wait3A_74 = tpu.memref_slice %arg5[%dma_wait3A_59, %dma_wait3A_72, %dma_wait3A_73] : memref<2x8x4096xf32, #tpu.memory_space<vmem>> -> memref<1x8x2048xf32, #tpu.memory_space<vmem>>
      %dma_wait3A_75 = tpu.memref_squeeze %dma_wait3A_74 : memref<1x8x2048xf32, #tpu.memory_space<vmem>> -> memref<8x2048xf32, #tpu.memory_space<vmem>>
      tpu.wait_dma2 semaphore(%arg6 : memref<!tpu.dma_semaphore, #tpu.memory_space<semaphore_mem>>) src(%dma_wait3A_75 : memref<8x2048xf32, #tpu.memory_space<vmem>>) dst(%dma_wait3A_71 : memref<8x2048xf32, #tpu.memory_space<hbm>>)
    }
    %scan3A_41 = arith.constant 16 : i32
    return
  }
}

</mosaic_0001>

<sc_bundles>
// kernel: kernel.3.cloned.1.call-start
scs
__scs_entry_jumppad:
0x0: {  	(pc) =	sbr.rel $0x88, $3  }
0x1: {  	(tag) =	ssettag $0x0;
	lr =	simm.s32 $0x1  }
0x2: {  	[smem:$0x3FA0] =	sst lr;
	_ =	strace $0xD0000000  }
0x3: {  	_ = 	snop  }
0x4: {  	_ = 	snop  }
0x5: {  	_ = 	snop  }
0x6: {  	_ = 	snop  }
0x7: {  	_ = 	snop  }
__scs_overlays_trampoline_lowered:
0x8: {  	[smem:$0x3FAF] =	sst s0  }
0x9: {  	[smem:$0x3FB0] =	sst s1  }
0xa: {  	[smem:$0x3FB1] =	sst s2  }
0xb: {  	[smem:$0x3FB2] =	sst s3  }
0xc: {  	[smem:$0x3FB3] =	sst s4  }
0xd: {  	[smem:$0x3FB4] =	sst s5  }
0xe: {  	[smem:$0x3FB5] =	sst s6  }
0xf: {  	[smem:$0x3FB6] =	sst s7  }
0x10: {  	[smem:$0x3FB7] =	sst s8  }
0x11: {  	[smem:$0x3FB8] =	sst s9;
	s0 =	simm.s32 @!p0 $0x0  }
0x12: {  	s1 =	sld [smem:$0x3F9E];
	s0 =	simm.s32 @p0 $0x1  }
0x13: {  	[smem:$0x3FB9] =	sst s0;
	s0 =	simm.s32 @!p1 $0x0  }
0x14: {  	s2 =	sld [smem:$0x3F9D];
	s0 =	simm.s32 @p1 $0x1  }
0x15: {  	[smem:$0x3FBA] =	sst s0;
	s0 =	simm.s32 @!p2 $0x0  }
0x16: {  	s3 =	sld [smem:$0x3FDB];
	s0 =	simm.s32 @p2 $0x1  }
0x17: {  	s4 =	simm.s32 $0x1BF5;
	[smem:$0x3FBC] =	sst s0  }
0x18: {  	s0 =	sld [smem:$0x3F9F];
	_ =	swait.ge [sflag:s4], $0x0  }
0x19: {  	s7 =	sld [smem:$0x3FA0]  }
0x1a: {  	s8 =	sadd.s32 $0xFFFFE003, lr  }
0x1b: {  	s9 =	sadd.s32 $0xFFFFFEF7, lr;
	s5 =	simm.s32 $0xFFFFFFFF;
	p2 =	slt.u32 s8, $0xFFFFF086  }
0x1c: {  	p1 =	slt.u32 s9, $0xF7A;
	s5 =	simm.s32 @!p2 $0x0  }
0x1d: {  	s5 =	simm.s32 @p1 $0x1;
	p0 =	seq.s32 s7, s2  }
0x1e: {  	s7 =	smul.u32 @!p0 $0xF7A, s2;
	p2 =	seq.s32 @!p0 s5, $0x0  }
0x1f: {  	s9 =	smul.u32 $0xF7A, s1;
	s8 =	simm.s32 @!p0 $0x1BF5;
	p2 =	por !p2, p0  }
0x20: {  	[sflag:s8] =	ssyncset.s32 @!p0 $0xFFFFF086;
	s6 =	sadd.s32 @!p0 s3, s7;
	s7 =	simm.s32 @!p0 $0x108  }
0x21: {  	s3 =	sadd.s32 s3, s9;
	s6 =	sadd.s32 @!p0 $0x88, s6;
	s7 =	simm.s32 @p2 $0x1082  }
0x22: {  	[simem:s7], [sflag:s8] =	dma.local @!p0 [hbm:s6], $0xF7A  }
0x23: {  	s9 =	sor.u32 $0xD0000000, s2;
	s6 =	simm.s32 $0x108;
	_ =	swait.ge @!p0 [sflag:s8], $0x0  }
0x24: {  	s3 =	sadd.s32 $0x88, s3;
	s6 =	simm.s32 @!p1 $0x1082;
	[sflag:s4] =	ssyncset.s32 $0xFFFFF086  }
0x25: {  	[simem:s6], [sflag:s4] =	dma.local [hbm:s3], $0xF7A  }
0x26: {  	[smem:$0x3FA0] =	sst s1;
	(tag) =	ssettag s2;
	_ =	strace s9  }
0x27: {  	s1 =	sld [smem:$0x3FB0]  }
0x28: {  	s2 =	sld [smem:$0x3FB1]  }
0x29: {  	s4 =	sld [smem:$0x3FB3]  }
0x2a: {  	p0 =	seq.s32 s5, $0x0;
	s5 =	sld [smem:$0x3FB4]  }
0x2b: {  	s6 =	sld [smem:$0x3FB5]  }
0x2c: {  	s7 =	sld [smem:$0x3FB6]  }
0x2d: {  	s3 =	simm.s32 $0x108;
	s8 =	sld [smem:$0x3FB7]  }
0x2e: {  	s3 =	simm.s32 @!p0 $0x1082;
	s9 =	sld [smem:$0x3FB8]  }
0x2f: {  	lr =	sadd.s32 s0, s3;
	s0 =	sld [smem:$0x3FAF]  }
0x30: {  	s3 =	sld [smem:$0x3FB2]  }
0x31: {  	[smem:$0x3FBB] =	sst s10  }
0x32: {  	s10 =	sld [smem:$0x3FB9];
	_ =	sdelay $0x3  }
0x33: {  	p0 =	seq.s32 s10, $0x1;
	s10 =	sld [smem:$0x3FBB];
	_ =	sdelay $0x3  }
0x34: {  	[smem:$0x3FBB] =	sst s10  }
0x35: {  	s10 =	sld [smem:$0x3FBA];
	_ =	sdelay $0x3  }
0x36: {  	p1 =	seq.s32 s10, $0x1;
	s10 =	sld [smem:$0x3FBB];
	_ =	sdelay $0x3  }
0x37: {  	[smem:$0x3FBB] =	sst s10  }
0x38: {  	s10 =	sld [smem:$0x3FBC]  }
0x39: {  	_ = 	snop;
	(pc) =	sbr.ind lr, $3  }
0x3a: {  	_ = 	snop  }
0x3b: {  	_ = 	snop  }
0x3c: {  	p2 =	seq.s32 s10, $0x1;
	s10 =	sld [smem:$0x3FBB]  }
0x3d: {  	_ =	shalt  }
0x3e: {  	_ =	shalt  }
0x3f: {  	_ =	shalt  }
0x40: {  	_ =	shalt  }
0x41: {  	_ =	shalt  }
0x42: {  	_ =	shalt  }
0x43: {  	_ =	shalt  }
0x44: {  	_ =	shalt  }
0x45: {  	_ =	shalt  }
0x46: {  	_ =	shalt  }
0x47: {  	_ =	shalt  }
0x48: {  	_ =	shalt  }
0x49: {  	_ =	shalt  }
0x4a: {  	_ =	shalt  }
0x4b: {  	_ =	shalt  }
0x4c: {  	_ =	shalt  }
0x4d: {  	_ =	shalt  }
0x4e: {  	_ =	shalt  }
0x4f: {  	_ =	shalt  }
0x50: {  	_ =	shalt  }
0x51: {  	_ =	shalt  }
0x52: {  	_ =	shalt  }
0x53: {  	_ =	shalt  }
0x54: {  	_ =	shalt  }
0x55: {  	_ =	shalt  }
0x56: {  	_ =	shalt  }
0x57: {  	_ =	shalt  }
0x58: {  	_ =	shalt  }
0x59: {  	_ =	shalt  }
0x5a: {  	_ =	shalt  }
0x5b: {  	_ =	shalt  }
0x5c: {  	_ =	shalt  }
0x5d: {  	_ =	shalt  }
0x5e: {  	_ =	shalt  }
0x5f: {  	_ =	shalt  }
0x60: {  	_ =	shalt  }
0x61: {  	_ =	shalt  }
0x62: {  	_ =	shalt  }
0x63: {  	_ =	shalt  }
0x64: {  	_ =	shalt  }
0x65: {  	_ =	shalt  }
0x66: {  	_ =	shalt  }
0x67: {  	_ =	shalt  }
0x68: {  	_ =	shalt  }
0x69: {  	_ =	shalt  }
0x6a: {  	_ =	shalt  }
0x6b: {  	_ =	shalt  }
0x6c: {  	_ =	shalt  }
0x6d: {  	_ =	shalt  }
0x6e: {  	_ =	shalt  }
0x6f: {  	_ =	shalt  }
0x70: {  	_ =	shalt  }
0x71: {  	_ =	shalt  }
0x72: {  	_ =	shalt  }
0x73: {  	_ =	shalt  }
0x74: {  	_ =	shalt  }
0x75: {  	_ =	shalt  }
0x76: {  	_ =	shalt  }
0x77: {  	_ =	shalt  }
0x78: {  	_ =	shalt  }
0x79: {  	_ =	shalt  }
0x7a: {  	_ =	shalt  }
0x7b: {  	_ =	shalt  }
0x7c: {  	_ =	shalt  }
0x7d: {  	_ =	shalt  }
0x7e: {  	_ =	shalt  }
0x7f: {  	_ =	shalt  }
0x80: {  	_ =	shalt  }
0x81: {  	_ =	shalt  }
0x82: {  	_ =	shalt  }
0x83: {  	_ =	shalt  }
0x84: {  	_ =	shalt  }
0x85: {  	_ =	shalt  }
0x86: {  	_ =	shalt  }
0x87: {  	_ =	shalt  }
.Lfunc_end0:
.L_simem_size_0:
called_computation_lowered:
.L_overlay_start_0:
0x88: {  	s2 =	sld [smem:$0x3FD9]  }
0x89: {  	s3 =	sld [smem:$0x3FFE];
	_ =	sdelay $0x1  }
0x8a: {  	s1 =	srdreg.scid  }
0x8b: {  	s0 =	sand.u32 $0x1, s1  }
0x8c: {  	s18 =	sshll.u32 s0, $0xA;
	s2 =	sadd.s32 s3, s2  }
0x8d: {  	s2 =	sadd.s32 s2, s18  }
0x8e: {  	[smem:$0x3FC7] =	sst s2  }
0x8f: {  	_ = 	snop  }
0x90: {  	s2 =	sld [smem:$0x3FC9]  }
0x91: {  	s19 =	sld [smem:$0x3FD0];
	(tm) =	ssettm $0x1  }
0x92: {  	s4 =	sld [smem:$0x3FFB];
	_ =	sdelay $0x3  }
0x93: {  	_ =	strace s4  }
0x94: {  	s4 =	sld [smem:$0x3FFC];
	_ =	sdelay $0x3  }
0x95: {  	_ =	strace s4  }
0x96: {  	s4 =	sld [smem:$0x3FFD];
	_ =	sdelay $0x3  }
0x97: {  	_ =	strace s4  }
0x98: {  	_ =	strace $0x8FFFFFFF  }
0x99: {  	s20 =	sld [smem:$0x3FDB];
	_ =	sdelay $0x1  }
0x9a: {  	s5 =	simm.s32 $_scs_section_size  }
0x9b: {  	s6 =	simm.s32 $_size__tile_overlayer_lowered;
	s7 =	simm.s32 $_tile_overlayer_lowered  }
0x9c: {  	s23 =	simm.s32 $0x1BFF;
	s22 =	sshll.u32 s7, $0x1;
	s4 =	sadd.s32 s5, s20  }
0x9d: {  	s8 =	simm.s32 $0x0;
	s21 =	sshll.u32 s6, $0x1;
	s6 =	sadd.s32 s22, s4  }
0x9e: {  	[timem:s8], [sflag:s23] =	dma.local [hbm:s6], s21  }
0x9f: {  	_ =	swait.ge [sflag:s23], s21  }
0xa0: {  	s5 =	ssub.s32 $0x0, s21;
	[sflag:s23] =	ssyncset.done $0x0  }
0xa1: {  	[sflag:s23] =	ssyncadd.s32 s5;
	_ =	sdelay $0x1  }
0xa2: {  	s24 =	simm.s32 $0x1B8B  }
0xa3: {  	_ =	swait.ge [sflag:s24], $0x1  }
0xa4: {  	[sflag:s24] =	ssyncset.done $0x0  }
0xa5: {  	s25 =	simm.s32 $0x1B8E;
	[sflag:s24] =	ssyncadd.s32 $0xFFFFFFFF  }
0xa6: {  	s26 =	simm.s32 $execute0_lowered;
	[smem:$0x3FD2] =	sst s25  }
0xa7: {  	s5 =	sshll.u32 s26, $0x1;
	_ =	strace $0x80000046;
	[dreg:$0x1] =	wrdreg $0xFFFFFFFF  }
0xa8: {  	s28 =	simm.s32 $_size_execute0_lowered;
	s4 =	sadd.s32 s4, s5;
	[dreg:$0x0] =	wrdreg $0x0  }
0xa9: {  	s5 =	sshll.u32 s28, $0x1;
	[dreg:$0x2] =	wrdreg s4  }
0xaa: {  	[dreg:$0x3] =	wrdreg s5  }
0xab: {  	[dreg:$0x4] =	wrdreg $0xC0  }
0xac: {  	_ =	task [dreg:s8], $0x5FFFF  }
0xad: {  	[dreg:$0x1] =	wrdreg $0xFFFFFFFF  }
0xae: {  	[dreg:$0x0] =	wrdreg $0x60  }
0xaf: {  	[dreg:$0x2] =	wrdreg s2  }
0xb0: {  	[dreg:$0x3] =	wrdreg s19  }
0xb1: {  	[dreg:$0x4] =	wrdreg $0x9  }
0xb2: {  	_ =	task.clear_ibuf [dreg:s8], $0x5FFFF;
	_ =	strace $0x90000046  }
0xb3: {  	s29 =	simm.s32 $0x9;
	_ =	strace $0x80000048  }
0xb4: {  	_ =	swait.ge [sflag:s29], $0x1  }
0xb5: {  	[sflag:s29] =	ssyncadd.s32 $0xFFFFFFFF  }
0xb6: {  	_ =	strace $0x90000048  }
0xb7: {  	_ =	sfence  }
0xb8: {  	s30 =	sld [smem:$0x0];
	_ =	sdelay $0x2  }
0xb9: {  	s31 =	sshll.u32 s1, $0xD;
	s1 =	sshrl.u32 s1, $0x2  }
0xba: {  	s3 =	sand.u32 $0x4000, s31;
	s1 =	sadd.s32 s1, s30  }
0xbb: {  	s0 =	sor.u32 s3, s0;
	s1 =	sshll.u32 s1, $0x11  }
0xbc: {  	s0 =	sor.u32 s1, s0  }
0xbd: {  	s0 =	sadd.s32 $0x8F2B, s0  }
0xbe: {  	[sflag:s0] =	ssyncadd.remote.s32 $0x1  }
0xbf: {  	_ =	sfence.sel $0xFFFF  }
0xc0: {  	[dreg:$0x0] =	wrdreg $0xFFFFFFFF;
	(pc) =	sbr.abs _section_cstart, $3  }
0xc1: {  	[dreg:$0x1] =	wrdreg $0xFFFFFFFF  }
0xc2: {  	_ =	task.clear_ibuf [dreg:s8], $0x2FFFF;
	_ =	strace $0x9FFFFFFF  }
0xc3: {  	(tm) =	ssettm $0x7FFFFFFF  }
tec
execute0_lowered:
.L_overlay_start_1:
0x0: {  	(tag) =	ssettag $0x1  }
0x1: {  	v0 =	vimm.s32 $0x89ABCDEF;
	v1 =	vimm.s32 $0x1234567;
	v2 =	vimm.s32 $0x9ABCDEF0  }
0x2: {  	v3 =	vimm.s32 $0x12345678;
	v4 =	vimm.s32 $0xABCDEF01;
	v5 =	vimm.s32 $0x23456789  }
0x3: {  	v6 =	vimm.s32 $0xBCDEF012;
	v7 =	vimm.s32 $0x3456789A;
	vm0 =	vmmov $0xff  }
0x4: {  	vm1 =	vmmov $0x1ff;
	vm2 =	vmmov $0x3ff;
	vm3 =	vmmov $0x7ff  }
0x5: {  	vm4 =	vmmov $0xfff;
	vm5 =	vmmov $0x1fff;
	v63 =	vlaneseq.u32  }
0x6: {  	vm6 =	vmmov $0x3fff;
	vm7 =	vmmov $0x7fff;
	vm8 =	vmmov $0x1  }
0x7: {  	vm9 =	vmmov $0x3;
	vm10 =	vmmov $0x7;
	vm11 =	vmmov $0xf  }
0x8: {  	vm12 =	vmmov $0x1f;
	vm13 =	vmmov $0x3f;
	vm14 =	vmmov $0x7f  }
0x9: {  	v0 =	vunpack.c.l.s4.s8 v0;
	v1 =	vunpack.c.l.s4.s8 v1;
	v2 =	vunpack.c.l.s4.s8 v2  }
0xa: {  	v3 =	vunpack.c.l.s4.s8 v3;
	v4 =	vunpack.c.l.s4.s8 v4;
	v5 =	vunpack.c.l.s4.s8 v5  }
0xb: {  	v0 =	vunpack.c.0.s8.s32 v0;
	v1 =	vunpack.c.0.s8.s32 v1;
	v8 =	vunpack.c.0.s8.s32 v2  }
0xc: {  	v2 =	vunpack.c.l.s4.s8 v6;
	v6 =	vunpack.c.l.s4.s8 v7;
	v9 =	vunpack.c.0.s8.s32 v3  }
0xd: {  	v10 =	vunpack.c.0.s8.s32 v4;
	v11 =	vunpack.c.0.s8.s32 v5;
	v4 =	vimm.s32 $0xCDEF0123  }
0xe: {  	v5 =	vimm.s32 $0x456789AB;
	v7 =	vimm.s32 $0x56789ABC;
	v4 =	vunpack.c.l.s4.s8 v4  }
0xf: {  	v5 =	vunpack.c.l.s4.s8 v5;
	v0 =	vcombine.low v1, v0;
	v12 =	vunpack.c.0.s8.s32 v2  }
0x10: {  	v13 =	vunpack.c.0.s8.s32 v6;
	v1 =	vcombine.low v9, v8;
	v2 =	vcombine.low v11, v10  }
0x11: {  	v6 =	vimm.s32 $0xDEF01234;
	v9 =	vcombine.low v8, v9;
	v10 =	vcombine.low v10, v11  }
0x12: {  	v6 =	vunpack.c.l.s4.s8 v6;
	v14 =	vunpack.c.0.s8.s32 v4;
	v4 =	vunpack.c.l.s4.s8 v7  }
0x13: {  	s1 =	srdreg.scid;
	s5 =	rddreg [dreg:$0x0];
	v15 =	vunpack.c.0.s8.s32 v5;
	v5 =	vimm.s32 $0xEF012345;
	v7 =	vimm.s32 $0x789ABCDE  }
0x14: {  	s0 =	stileid.u32;
	s2 =	rddreg [dreg:$0x1];
	v0 =	vand.u32 $0xF, v0;
	v3 =	vcombine.low v13, v12;
	v1 =	vand.u32 $0xF, v1  }
0x15: {  	s4 =	simm.s32 $0x1;
	s3 =	simm.s32 $0x0;
	s7 =	sand.u32 $0x1, s1;
	v2 =	vand.u32 $0xF, v2;
	v7 =	vunpack.c.l.s4.s8 v7;
	v11 =	vcombine.low v12, v13  }
0x16: {  	s11 =	simm.s32 $0x400;
	s12 =	simm.s32 $0x2;
	s1 =	sor.u32 s7, s0;
	v9 =	vand.u32 $0xF, v9;
	v10 =	vand.u32 $0xF, v10;
	v16 =	vunpack.c.0.s8.s32 v6  }
0x17: {  	s13 =	simm.s32 $0x0;
	p1 =	seq.s32 s7, $0x1;
	p0 =	seq.s32 s1, $0x0;
	v17 =	vunpack.c.0.s8.s32 v4;
	v4 =	vunpack.c.l.s4.s8 v5;
	v5 =	vimm.s32 $0x6789ABCD  }
0x18: {  	[smem:$0x7FF] =	sst s3;
	s28 =	ssub.s32 $0x2, s7;
	p0 =	por !p0, !p1;
	v6 =	vimm.s32 $0xF0123456;
	v18 =	vcombine.low v15, v14;
	v12 =	vcombine.low v14, v15  }
0x19: {  	s29 =	sshll.u32 s7, $0x11;
	s31 =	sshll.u32 s7, $0x6;
	p0 =	por !p0, !p0;
	v3 =	vand.u32 $0xF, v3;
	v5 =	vunpack.c.l.s4.s8 v5;
	v6 =	vunpack.c.l.s4.s8 v6  }
0x1a: {  	s1 =	rddreg [dreg:$0x2];
	s10 =	sshrl.u32 s28, $0x1;
	s4 =	simm.s32 @!p0 $0x0;
	v22 =	vunpack.c.0.s8.s32 v7;
	v11 =	vand.u32 $0xF, v11;
	v19 =	vcombine.low v17, v16  }
0x1b: {  	_ =	strace $0x80000047;
	s10 =	ssub.s32 s28, s10;
	s6 =	ssub.s32 s0, s4;
	v20 =	vunpack.c.0.s8.s32 v4;
	v21 =	vunpack.c.0.s8.s32 v5;
	v62 =	vunpack.c.0.s8.s32 v6  }
0x1c: {  	s4 =	simm.s32 $0x1;
	s8 =	sshll.u32 s6, $0xD;
	s9 =	sshll.u32 s6, $0x7;
	v4 =	vand.u32 $0xF, v18;
	v13 =	vcombine.low v16, v17;
	v5 =	vand.u32 $0xF, v19  }
0x1d: {  	s30 =	sshll.u32 s6, $0x16;
	s8 =	sand.u32 $0xFFFF0000, s8;
	s9 =	sand.u32 $0x380, s9;
	v19 =	vmul.u32 $0xFFFFFFFF, v63;
	v6 =	vcombine.low v21, v20;
	v7 =	vcombine.low v22, v62  }
0x1e: {  	s6 =	smax.u32 s10, $0x1;
	s8 =	sor.u32 s9, s8;
	s9 =	sxor.u32 $0x3C000, s29;
	v12 =	vand.u32 $0xF, v12;
	v14 =	vcombine.low v20, v21;
	v15 =	vcombine.low v62, v22  }
0x1f: {  	s10 =	simm.s32 $0x80;
	s8 =	sshrl.u32 s8, $0x3;
	s7 =	sor.u32 s9, s30;
	v13 =	vand.u32 $0xF, v13;
	v8 =	vadd.s32 $0xF, v19;
	v6 =	vand.u32 $0xF, v6  }
0x20: {  	s5 =	sadd.s32 s5, s8;
	s8 =	sxor.u32 $0x17F0, s31;
	s9 =	sadd.s32 $0xFFFFC000, s7;
	v7 =	vand.u32 $0xF, v7;
	v14 =	vand.u32 $0xF, v14;
	v15 =	vand.u32 $0xF, v15  }
.LBB2_1:
0x21: {  	[tilespmem:s3], [sflag:$0x2] =	stream.strided.gather [hbm4b:s5+s10], $0x2000, s11, s10, $0x38;
	[tilespmem:$0x12000] =	vst v63  }
0x22: {  	_ =	swait.ge [sflag:s12], $0x2000  }
0x23: {  	s14 =	smov.u32 s9;
	s15 =	smov.u32 s7;
	[sflag:s12] =	ssyncset.done $0x0  }
0x24: {  	s16 =	smov.u32 s8;
	s17 =	simm.s32 $0x0;
	[sflag:s12] =	ssyncadd.s32 $0xFFFFE000  }
.LBB2_2:
0x25: {  	p0 =	seq.s32 s17, $0x0  }
0x26: {  	s18 =	simm.s32 @!p0 $0x1  }
0x27: {  	_ =	swait.ge @!p0 [sflag:s18], $0x4000  }
0x28: {  	[sflag:s18] =	ssyncset.done @!p0 $0x0  }
0x29: {  	[sflag:s18] =	ssyncadd.s32 @!p0 $0xFFFFC000  }
0x2a: {  	_ =	swait.ge @!p0 [sflag:s18], $0x4000  }
0x2b: {  	[sflag:s18] =	ssyncset.done @!p0 $0x0  }
0x2c: {  	[sflag:s18] =	ssyncadd.s32 @!p0 $0xFFFFC000  }
0x2d: {  	_ =	swait.ge @!p0 [sflag:s18], $0x4000  }
0x2e: {  	[sflag:s18] =	ssyncset.done @!p0 $0x0  }
0x2f: {  	[sflag:s18] =	ssyncadd.s32 @!p0 $0xFFFFC000  }
0x30: {  	_ =	swait.ge @!p0 [sflag:s18], $0x4000  }
0x31: {  	[sflag:s18] =	ssyncset.done @!p0 $0x0  }
0x32: {  	[sflag:s18] =	ssyncadd.s32 @!p0 $0xFFFFC000  }
0x33: {  	_ =	swait.ge @!p0 [sflag:s18], $0x4000  }
0x34: {  	[sflag:s18] =	ssyncset.done @!p0 $0x0  }
0x35: {  	[sflag:s18] =	ssyncadd.s32 @!p0 $0xFFFFC000  }
0x36: {  	_ =	swait.ge @!p0 [sflag:s18], $0x4000  }
0x37: {  	[sflag:s18] =	ssyncset.done @!p0 $0x0  }
0x38: {  	[sflag:s18] =	ssyncadd.s32 @!p0 $0xFFFFC000  }
0x39: {  	_ =	swait.ge @!p0 [sflag:s18], $0x4000  }
0x3a: {  	[sflag:s18] =	ssyncset.done @!p0 $0x0  }
0x3b: {  	[sflag:s18] =	ssyncadd.s32 @!p0 $0xFFFFC000  }
0x3c: {  	_ =	swait.ge @!p0 [sflag:s18], $0x4000  }
0x3d: {  	[sflag:s18] =	ssyncset.done @!p0 $0x0  }
0x3e: {  	[sflag:s18] =	ssyncadd.s32 @!p0 $0xFFFFC000  }
0x3f: {  	_ =	swait.ge @!p0 [sflag:s18], $0x4000  }
0x40: {  	[sflag:s18] =	ssyncset.done @!p0 $0x0  }
0x41: {  	[sflag:s18] =	ssyncadd.s32 @!p0 $0xFFFFC000  }
0x42: {  	_ =	swait.ge @!p0 [sflag:s18], $0x4000  }
0x43: {  	[sflag:s18] =	ssyncset.done @!p0 $0x0  }
0x44: {  	[sflag:s18] =	ssyncadd.s32 @!p0 $0xFFFFC000  }
0x45: {  	_ =	swait.ge @!p0 [sflag:s18], $0x4000  }
0x46: {  	[sflag:s18] =	ssyncset.done @!p0 $0x0  }
0x47: {  	[sflag:s18] =	ssyncadd.s32 @!p0 $0xFFFFC000  }
0x48: {  	_ =	swait.ge @!p0 [sflag:s18], $0x4000  }
0x49: {  	[sflag:s18] =	ssyncset.done @!p0 $0x0  }
0x4a: {  	[sflag:s18] =	ssyncadd.s32 @!p0 $0xFFFFC000  }
0x4b: {  	_ =	swait.ge @!p0 [sflag:s18], $0x4000  }
0x4c: {  	[sflag:s18] =	ssyncset.done @!p0 $0x0  }
0x4d: {  	[sflag:s18] =	ssyncadd.s32 @!p0 $0xFFFFC000  }
0x4e: {  	_ =	swait.ge @!p0 [sflag:s18], $0x4000  }
0x4f: {  	[sflag:s18] =	ssyncset.done @!p0 $0x0  }
0x50: {  	[sflag:s18] =	ssyncadd.s32 @!p0 $0xFFFFC000  }
0x51: {  	_ =	swait.ge @!p0 [sflag:s18], $0x4000  }
0x52: {  	[sflag:s18] =	ssyncset.done @!p0 $0x0  }
0x53: {  	[sflag:s18] =	ssyncadd.s32 @!p0 $0xFFFFC000  }
0x54: {  	_ =	swait.ge @!p0 [sflag:s18], $0x4000  }
0x55: {  	s19 =	simm.s32 $0x0;
	s21 =	smov.u32 s16;
	[sflag:s18] =	ssyncset.done @!p0 $0x0  }
0x56: {  	s20 =	simm.s32 $0x0;
	[sflag:s18] =	ssyncadd.s32 @!p0 $0xFFFFC000;
	s18 =	simm.s32 $0x0  }
.LBB2_3:
0x57: {  	v16 =	vld [tilespmem:s21+$0x0]  }
0x58: {  	v17 =	vld [tilespmem:s21+$0xFFFFFFF0];
	_ =	sdelay $0x4  }
0x59: {  	v18 =	vperm.xlane v16, v0;
	v19 =	vperm.xlane v17, v0  }
0x5a: {  	s22 =	sand.u32 $0x70, s20;
	s23 =	sand.u32 $0x7C00, s19;
	v20 =	vperm.xlane v16, v1;
	v21 =	vperm.xlane v17, v1  }
0x5b: {  	s22 =	sor.u32 s22, s23;
	v49 =	vperm.xlane v16, v2;
	v22 =	vperm.xlane v17, v2;
	v18 =	vsel vm0, v18, v19  }
0x5c: {  	v51 =	vperm.xlane v16, v3;
	v52 =	vperm.xlane v17, v3;
	v50 =	vsel vm1, v20, v21;
	[tilespmem:s22+$0x2000] =	vst v18  }
0x5d: {  	v54 =	vperm.xlane v16, v4;
	v55 =	vperm.xlane v17, v4;
	v53 =	vsel vm2, v49, v22;
	[tilespmem:s22+$0x2080] =	vst v50  }
0x5e: {  	p1 =	sne.s32 s20, $0xFF0;
	v57 =	vperm.xlane v16, v5;
	v58 =	vperm.xlane v17, v5;
	v56 =	vsel vm3, v51, v52;
	[tilespmem:s22+$0x2100] =	vst v53  }
.Ltmp0:
0x5f: {  	s30 =	sand.u32 $0x7, s18;
	v60 =	vperm.xlane v16, v6;
	v61 =	vperm.xlane v17, v6;
	v59 =	vsel vm4, v54, v55;
	[tilespmem:s22+$0x2180] =	vst v56;
	(pc) =	sbr.rel @p1 .LBB2_3-.Ltmp0, $4  }
0x60: {  	s23 =	sshll.u32 s30, $0x4;
	v16 =	vperm.xlane v16, v7;
	v17 =	vperm.xlane v17, v7;
	v62 =	vsel vm5, v57, v58;
	[tilespmem:s22+$0x2200] =	vst v59  }
0x61: {  	s23 =	sadd.s32 s23, s19;
	v63 =	vsel vm6, v60, v61;
	[tilespmem:s22+$0x2280] =	vst v62  }
0x62: {  	s21 =	sadd.s32 $0xFFFFFFF0, s21;
	s31 =	sor.u32 $0x380, s23;
	v16 =	vsel vm7, v16, v17;
	[tilespmem:s22+$0x2300] =	vst v63  }
0x63: {  	s18 =	sadd.s32 $0x1, s18;
	s20 =	sadd.s32 $0x10, s20;
	s19 =	sadd.s32 $0x80, s19;
	[tilespmem:s31+$0x2000] =	vst v16  }
0x64: {  	s18 =	sshrl.u32 s15, $0x3  }
0x65: {  	s19 =	simm.s32 $0x5C00;
	s18 =	sadd.s32 s2, s18  }
0x66: {  	[hbm4b:s18+s3] =	stream.linear.scatter [tilespmem:s19], [sflag:$0x1], $0x4000, $0x38;
	[tilespmem:$0x12000] =	vst v63  }
0x67: {  	s18 =	simm.s32 $0xE000;
	s19 =	smov.u32 s15  }
.LBB2_5:
0x68: {  	p1 =	sne.s32 s18, $0x0  }
.Ltmp1:
0x69: {  	_ = 	snop;
	(pc) =	sbr.rel @p1 .LBB2_5-.Ltmp1, $4  }
0x6a: {  	s19 =	sadd.s32 $0x40000, s19  }
0x6b: {  	s20 =	sshra.s32 s18, $0x2;
	s21 =	sshrl.u32 s19, $0x3  }
0x6c: {  	s18 =	sadd.s32 $0xFFFFF000, s18;
	s20 =	sadd.s32 $0x2000, s20;
	s21 =	sadd.s32 s2, s21  }
0x6d: {  	[hbm4b:s21+s3] =	stream.linear.scatter [tilespmem:s20], [sflag:$0x1], $0x4000, $0x38;
	[tilespmem:$0x12000] =	vst v63  }
0x6e: {  	s18 =	simm.s32 @!p0 $0x1  }
0x6f: {  	_ =	swait.ge @!p0 [sflag:s18], $0x4000  }
0x70: {  	[sflag:s18] =	ssyncset.done @!p0 $0x0  }
0x71: {  	[sflag:s18] =	ssyncadd.s32 @!p0 $0xFFFFC000  }
0x72: {  	_ =	swait.ge @!p0 [sflag:s18], $0x4000  }
0x73: {  	[sflag:s18] =	ssyncset.done @!p0 $0x0  }
0x74: {  	[sflag:s18] =	ssyncadd.s32 @!p0 $0xFFFFC000  }
0x75: {  	_ =	swait.ge @!p0 [sflag:s18], $0x4000  }
0x76: {  	[sflag:s18] =	ssyncset.done @!p0 $0x0  }
0x77: {  	[sflag:s18] =	ssyncadd.s32 @!p0 $0xFFFFC000  }
0x78: {  	_ =	swait.ge @!p0 [sflag:s18], $0x4000  }
0x79: {  	[sflag:s18] =	ssyncset.done @!p0 $0x0  }
0x7a: {  	[sflag:s18] =	ssyncadd.s32 @!p0 $0xFFFFC000  }
0x7b: {  	_ =	swait.ge @!p0 [sflag:s18], $0x4000  }
0x7c: {  	[sflag:s18] =	ssyncset.done @!p0 $0x0  }
0x7d: {  	[sflag:s18] =	ssyncadd.s32 @!p0 $0xFFFFC000  }
0x7e: {  	_ =	swait.ge @!p0 [sflag:s18], $0x4000  }
0x7f: {  	[sflag:s18] =	ssyncset.done @!p0 $0x0  }
0x80: {  	[sflag:s18] =	ssyncadd.s32 @!p0 $0xFFFFC000  }
0x81: {  	_ =	swait.ge @!p0 [sflag:s18], $0x4000  }
0x82: {  	[sflag:s18] =	ssyncset.done @!p0 $0x0  }
0x83: {  	[sflag:s18] =	ssyncadd.s32 @!p0 $0xFFFFC000  }
0x84: {  	_ =	swait.ge @!p0 [sflag:s18], $0x4000  }
0x85: {  	[sflag:s18] =	ssyncset.done @!p0 $0x0  }
0x86: {  	[sflag:s18] =	ssyncadd.s32 @!p0 $0xFFFFC000  }
0x87: {  	_ =	swait.ge @!p0 [sflag:s18], $0x4000  }
0x88: {  	[sflag:s18] =	ssyncset.done @!p0 $0x0  }
0x89: {  	[sflag:s18] =	ssyncadd.s32 @!p0 $0xFFFFC000  }
0x8a: {  	_ =	swait.ge @!p0 [sflag:s18], $0x4000  }
0x8b: {  	[sflag:s18] =	ssyncset.done @!p0 $0x0  }
0x8c: {  	[sflag:s18] =	ssyncadd.s32 @!p0 $0xFFFFC000  }
0x8d: {  	_ =	swait.ge @!p0 [sflag:s18], $0x4000  }
0x8e: {  	[sflag:s18] =	ssyncset.done @!p0 $0x0  }
0x8f: {  	[sflag:s18] =	ssyncadd.s32 @!p0 $0xFFFFC000  }
0x90: {  	_ =	swait.ge @!p0 [sflag:s18], $0x4000  }
0x91: {  	[sflag:s18] =	ssyncset.done @!p0 $0x0  }
0x92: {  	[sflag:s18] =	ssyncadd.s32 @!p0 $0xFFFFC000  }
0x93: {  	_ =	swait.ge @!p0 [sflag:s18], $0x4000  }
0x94: {  	[sflag:s18] =	ssyncset.done @!p0 $0x0  }
0x95: {  	[sflag:s18] =	ssyncadd.s32 @!p0 $0xFFFFC000  }
0x96: {  	_ =	swait.ge @!p0 [sflag:s18], $0x4000  }
0x97: {  	[sflag:s18] =	ssyncset.done @!p0 $0x0  }
0x98: {  	[sflag:s18] =	ssyncadd.s32 @!p0 $0xFFFFC000  }
0x99: {  	_ =	swait.ge @!p0 [sflag:s18], $0x4000  }
0x9a: {  	[sflag:s18] =	ssyncset.done @!p0 $0x0  }
0x9b: {  	[sflag:s18] =	ssyncadd.s32 @!p0 $0xFFFFC000  }
0x9c: {  	_ =	swait.ge @!p0 [sflag:s18], $0x4000  }
0x9d: {  	s20 =	smov.u32 s16;
	[sflag:s18] =	ssyncset.done @!p0 $0x0  }
0x9e: {  	s19 =	simm.s32 $0x0;
	[sflag:s18] =	ssyncadd.s32 @!p0 $0xFFFFC000;
	s18 =	simm.s32 $0x0  }
.LBB2_7:
0x9f: {  	v16 =	vld [tilespmem:s20+$0xFFFFFFF0]  }
0xa0: {  	v17 =	vld [tilespmem:s20+$0x0];
	_ =	sdelay $0x3  }
0xa1: {  	v18 =	vperm.xlane v16, v8  }
0xa2: {  	s21 =	sand.u32 $0x70, s19;
	s22 =	sand.u32 $0x7C00, s18;
	v19 =	vperm.xlane v17, v9;
	v20 =	vperm.xlane v16, v9  }
0xa3: {  	s21 =	sor.u32 s21, s22;
	v21 =	vperm.xlane v17, v10;
	v22 =	vperm.xlane v16, v10  }
0xa4: {  	v51 =	vperm.xlane v17, v11;
	v52 =	vperm.xlane v16, v11;
	[tilespmem:s21+$0xA000] =	vst v18;
	v50 =	vsel vm8, v19, v20  }
0xa5: {  	v54 =	vperm.xlane v17, v12;
	v55 =	vperm.xlane v16, v12;
	v53 =	vsel vm9, v21, v22;
	[tilespmem:s21+$0xA080] =	vst v50  }
0xa6: {  	p0 =	sne.s32 s19, $0xFF0;
	v57 =	vperm.xlane v17, v13;
	v58 =	vperm.xlane v16, v13;
	v56 =	vsel vm10, v51, v52;
	[tilespmem:s21+$0xA100] =	vst v53  }
.Ltmp2:
0xa7: {  	v60 =	vperm.xlane v17, v14;
	v61 =	vperm.xlane v16, v14;
	v59 =	vsel vm11, v54, v55;
	[tilespmem:s21+$0xA180] =	vst v56;
	(pc) =	sbr.rel @p0 .LBB2_7-.Ltmp2, $4  }
0xa8: {  	v17 =	vperm.xlane v17, v15;
	v16 =	vperm.xlane v16, v15;
	v62 =	vsel vm12, v57, v58;
	[tilespmem:s21+$0xA200] =	vst v59  }
0xa9: {  	v63 =	vsel vm13, v60, v61;
	[tilespmem:s21+$0xA280] =	vst v62  }
0xaa: {  	v16 =	vsel vm14, v17, v16;
	[tilespmem:s21+$0xA300] =	vst v63  }
0xab: {  	s20 =	sadd.s32 $0xFFFFFFF0, s20;
	s18 =	sadd.s32 $0x80, s18;
	s19 =	sadd.s32 $0x10, s19;
	[tilespmem:s21+$0xA380] =	vst v16  }
0xac: {  	s18 =	sshrl.u32 s14, $0x3  }
0xad: {  	s19 =	simm.s32 $0xDC00;
	s18 =	sadd.s32 s2, s18  }
0xae: {  	[hbm4b:s18+s3] =	stream.linear.scatter [tilespmem:s19], [sflag:$0x1], $0x4000, $0x38;
	[tilespmem:$0x12000] =	vst v63  }
0xaf: {  	s18 =	simm.s32 $0x2E000;
	s19 =	smov.u32 s14  }
.LBB2_9:
0xb0: {  	p0 =	sne.s32 s18, $0x20000  }
.Ltmp3:
0xb1: {  	_ = 	snop;
	(pc) =	sbr.rel @p0 .LBB2_9-.Ltmp3, $4  }
0xb2: {  	s19 =	sadd.s32 $0x40000, s19  }
0xb3: {  	s20 =	sshra.s32 s18, $0x2;
	s21 =	sshrl.u32 s19, $0x3  }
0xb4: {  	s18 =	sadd.s32 $0xFFFFF000, s18;
	s20 =	sadd.s32 $0x2000, s20;
	s21 =	sadd.s32 s2, s21  }
0xb5: {  	[hbm4b:s21+s3] =	stream.linear.scatter [tilespmem:s20], [sflag:$0x1], $0x4000, $0x38;
	[tilespmem:$0x12000] =	vst v63  }
0xb6: {  	s17 =	sadd.s32 $0x1, s17  }
0xb7: {  	p0 =	sne.s32 s17, $0x4  }
.Ltmp4:
0xb8: {  	_ = 	snop;
	(pc) =	sbr.rel @p0 .LBB2_2-.Ltmp4, $2  }
0xb9: {  	_ =	sdelay $0x2  }
0xba: {  	s16 =	sadd.s32 $0xFFFFFFF0, s16;
	s15 =	sadd.s32 $0xFFFF8000, s15;
	s14 =	sadd.s32 $0xFFFF8000, s14  }
0xbb: {  	_ =	swait.ge [sflag:s4], $0x4000  }
0xbc: {  	[sflag:s4] =	ssyncset.done $0x0  }
0xbd: {  	[sflag:s4] =	ssyncadd.s32 $0xFFFFC000  }
0xbe: {  	_ =	swait.ge [sflag:s4], $0x4000  }
0xbf: {  	[sflag:s4] =	ssyncset.done $0x0  }
0xc0: {  	[sflag:s4] =	ssyncadd.s32 $0xFFFFC000  }
0xc1: {  	_ =	swait.ge [sflag:s4], $0x4000  }
0xc2: {  	[sflag:s4] =	ssyncset.done $0x0  }
0xc3: {  	[sflag:s4] =	ssyncadd.s32 $0xFFFFC000  }
0xc4: {  	_ =	swait.ge [sflag:s4], $0x4000  }
0xc5: {  	[sflag:s4] =	ssyncset.done $0x0  }
0xc6: {  	[sflag:s4] =	ssyncadd.s32 $0xFFFFC000  }
0xc7: {  	_ =	swait.ge [sflag:s4], $0x4000  }
0xc8: {  	[sflag:s4] =	ssyncset.done $0x0  }
0xc9: {  	[sflag:s4] =	ssyncadd.s32 $0xFFFFC000  }
0xca: {  	_ =	swait.ge [sflag:s4], $0x4000  }
0xcb: {  	[sflag:s4] =	ssyncset.done $0x0  }
0xcc: {  	[sflag:s4] =	ssyncadd.s32 $0xFFFFC000  }
0xcd: {  	_ =	swait.ge [sflag:s4], $0x4000  }
0xce: {  	[sflag:s4] =	ssyncset.done $0x0  }
0xcf: {  	[sflag:s4] =	ssyncadd.s32 $0xFFFFC000  }
0xd0: {  	_ =	swait.ge [sflag:s4], $0x4000  }
0xd1: {  	[sflag:s4] =	ssyncset.done $0x0  }
0xd2: {  	[sflag:s4] =	ssyncadd.s32 $0xFFFFC000  }
0xd3: {  	_ =	swait.ge [sflag:s4], $0x4000  }
0xd4: {  	[sflag:s4] =	ssyncset.done $0x0  }
0xd5: {  	[sflag:s4] =	ssyncadd.s32 $0xFFFFC000  }
0xd6: {  	_ =	swait.ge [sflag:s4], $0x4000  }
0xd7: {  	[sflag:s4] =	ssyncset.done $0x0  }
0xd8: {  	[sflag:s4] =	ssyncadd.s32 $0xFFFFC000  }
0xd9: {  	_ =	swait.ge [sflag:s4], $0x4000  }
0xda: {  	[sflag:s4] =	ssyncset.done $0x0  }
0xdb: {  	[sflag:s4] =	ssyncadd.s32 $0xFFFFC000  }
0xdc: {  	_ =	swait.ge [sflag:s4], $0x4000  }
0xdd: {  	[sflag:s4] =	ssyncset.done $0x0  }
0xde: {  	[sflag:s4] =	ssyncadd.s32 $0xFFFFC000  }
0xdf: {  	_ =	swait.ge [sflag:s4], $0x4000  }
0xe0: {  	[sflag:s4] =	ssyncset.done $0x0  }
0xe1: {  	[sflag:s4] =	ssyncadd.s32 $0xFFFFC000  }
0xe2: {  	_ =	swait.ge [sflag:s4], $0x4000  }
0xe3: {  	[sflag:s4] =	ssyncset.done $0x0  }
0xe4: {  	[sflag:s4] =	ssyncadd.s32 $0xFFFFC000  }
0xe5: {  	_ =	swait.ge [sflag:s4], $0x4000  }
0xe6: {  	[sflag:s4] =	ssyncset.done $0x0  }
0xe7: {  	[sflag:s4] =	ssyncadd.s32 $0xFFFFC000  }
0xe8: {  	_ =	swait.ge [sflag:s4], $0x4000  }
0xe9: {  	[sflag:s4] =	ssyncset.done $0x0  }
0xea: {  	[sflag:s4] =	ssyncadd.s32 $0xFFFFC000  }
0xeb: {  	_ =	swait.ge [sflag:s4], $0x4000  }
0xec: {  	[sflag:s4] =	ssyncset.done $0x0  }
0xed: {  	[sflag:s4] =	ssyncadd.s32 $0xFFFFC000  }
0xee: {  	_ =	swait.ge [sflag:s4], $0x4000  }
0xef: {  	[sflag:s4] =	ssyncset.done $0x0  }
0xf0: {  	[sflag:s4] =	ssyncadd.s32 $0xFFFFC000  }
0xf1: {  	_ =	swait.ge [sflag:s4], $0x4000  }
0xf2: {  	[sflag:s4] =	ssyncset.done $0x0  }
0xf3: {  	[sflag:s4] =	ssyncadd.s32 $0xFFFFC000  }
0xf4: {  	_ =	swait.ge [sflag:s4], $0x4000  }
0xf5: {  	[sflag:s4] =	ssyncset.done $0x0  }
0xf6: {  	[sflag:s4] =	ssyncadd.s32 $0xFFFFC000  }
0xf7: {  	_ =	swait.ge [sflag:s4], $0x4000  }
0xf8: {  	[sflag:s4] =	ssyncset.done $0x0  }
0xf9: {  	[sflag:s4] =	ssyncadd.s32 $0xFFFFC000  }
0xfa: {  	_ =	swait.ge [sflag:s4], $0x4000  }
0xfb: {  	[sflag:s4] =	ssyncset.done $0x0  }
0xfc: {  	[sflag:s4] =	ssyncadd.s32 $0xFFFFC000  }
0xfd: {  	_ =	swait.ge [sflag:s4], $0x4000  }
0xfe: {  	[sflag:s4] =	ssyncset.done $0x0  }
0xff: {  	[sflag:s4] =	ssyncadd.s32 $0xFFFFC000  }
0x100: {  	_ =	swait.ge [sflag:s4], $0x4000  }
0x101: {  	[sflag:s4] =	ssyncset.done $0x0  }
0x102: {  	[sflag:s4] =	ssyncadd.s32 $0xFFFFC000  }
0x103: {  	_ =	swait.ge [sflag:s4], $0x4000  }
0x104: {  	[sflag:s4] =	ssyncset.done $0x0  }
0x105: {  	[sflag:s4] =	ssyncadd.s32 $0xFFFFC000  }
0x106: {  	_ =	swait.ge [sflag:s4], $0x4000  }
0x107: {  	[sflag:s4] =	ssyncset.done $0x0  }
0x108: {  	[sflag:s4] =	ssyncadd.s32 $0xFFFFC000  }
0x109: {  	_ =	swait.ge [sflag:s4], $0x4000  }
0x10a: {  	[sflag:s4] =	ssyncset.done $0x0  }
0x10b: {  	[sflag:s4] =	ssyncadd.s32 $0xFFFFC000  }
0x10c: {  	_ =	swait.ge [sflag:s4], $0x4000  }
0x10d: {  	[sflag:s4] =	ssyncset.done $0x0  }
0x10e: {  	[sflag:s4] =	ssyncadd.s32 $0xFFFFC000  }
0x10f: {  	_ =	swait.ge [sflag:s4], $0x4000  }
0x110: {  	[sflag:s4] =	ssyncset.done $0x0  }
0x111: {  	[sflag:s4] =	ssyncadd.s32 $0xFFFFC000  }
0x112: {  	_ =	swait.ge [sflag:s4], $0x4000  }
0x113: {  	[sflag:s4] =	ssyncset.done $0x0  }
0x114: {  	s13 =	sadd.s32 $0x1, s13;
	[sflag:s4] =	ssyncadd.s32 $0xFFFFC000  }
0x115: {  	p0 =	sne.s32 s13, s6;
	_ =	swait.ge [sflag:s4], $0x4000  }
.Ltmp5:
0x116: {  	[sflag:s4] =	ssyncset.done $0x0;
	(pc) =	sbr.rel @p0 .LBB2_1-.Ltmp5, $4  }
0x117: {  	[sflag:s4] =	ssyncadd.s32 $0xFFFFC000  }
0x118: {  	_ =	swait.ge [sflag:s4], $0x4000  }
0x119: {  	[sflag:s4] =	ssyncset.done $0x0  }
0x11a: {  	[sflag:s4] =	ssyncadd.s32 $0xFFFFC000  }
0x11b: {  	_ =	sfence.sel $0x180000  }
0x11c: {  	[bflag:$0x0] =	sbarrier.arrive $0xFFFF  }
0x11d: {  	p0 =	sne.s32 s0, $0x0;
	_ =	strace $0x90000047  }
0x11e: {  	s0 =	sadd.s32 @!p0 $0x100000, s1;
	[bflag:$0x2] =	sbarrier.arrive $0xFFFF  }
0x11f: {  	[sflag:s0] =	ssyncadd.tile.s32 @!p0 $0x1;
	_ =	shalt  }
.Lfunc_end2:
_tile_overlayer_lowered:
.L_overlay_start_2:
0x120: {  	(tag) =	ssettag $0x2  }
0x121: {  	s0 =	rddreg [dreg:$0x0];
	s2 =	stileid.u32  }
0x122: {  	s1 =	rddreg [dreg:$0x1];
	p0 =	sne.s32 s2, $0x0  }
0x123: {  	s3 =	rddreg [dreg:$0x2];
	[bflag:$0x3] =	sbarrier.arrive $0xFFFF;
	s2 =	simm.s32 @!p0 $0x1C02  }
0x124: {  	[timem:s3], [sflag:s2] =	dma.local @!p0 [hbm:s0], s1  }
0x125: {  	s0 =	simm.s32 @!p0 $0x2  }
0x126: {  	_ =	swait.ge @!p0 [sflag:s0], s1  }
0x127: {  	s1 =	ssub.s32 @!p0 $0x0, s1;
	[sflag:s0] =	ssyncset.done @!p0 $0x0  }
0x128: {  	[sflag:s0] =	ssyncadd.s32 @!p0 s1  }
0x129: {  	[bflag:$0x3] =	sbarrier.arrive $0xFFFF  }
0x12a: {  	_ =	shalt  }

</sc_bundles>
